<compile_context>
chip_gen: v7x
topology: tpu7x:2x2x1
jax: 0.10.2.dev20260603
libtpu: 0.0.44.dev20260713+nightly
codegen_flags: <defaults>
</compile_context>

<pallas_src>
import jax
import jax.numpy as jnp
from jax import lax
from jax.experimental import pallas as pl
from jax.experimental.pallas import tpu as pltpu
from jax.experimental.pallas import tpu_sc as plsc

N = 10000
E = 320000
CH = 128
NCH = E // CH
NCHP = 2560
KPT = NCHP // 32
NW = 32
NP = 10240
RPS = NP // 16


def _make_seg_sum(width, with_cnt):
  mesh = plsc.VectorSubcoreMesh(core_axis_name="c", subcore_axis_name="s")
  out_type = [jax.ShapeDtypeStruct((2, NP, width), jnp.float32)]
  if with_cnt:
    out_type.append(jax.ShapeDtypeStruct((2, NP), jnp.float32))
  scratch = [
      pltpu.VMEM((2, CH), jnp.int32),
      pltpu.VMEM((2, CH), jnp.int32),
      pltpu.VMEM((CH, width), jnp.float32),
      pltpu.VMEM((CH, width), jnp.float32),
      pltpu.VMEM_SHARED((NP, width), jnp.float32),
      pltpu.SemaphoreType.DMA,
      pltpu.SemaphoreType.DMA,
  ]
  if with_cnt:
    scratch += [
        pltpu.VMEM((CH,), jnp.float32),
        pltpu.VMEM_SHARED((NP,), jnp.float32),
    ]

  def body(*refs):
    if with_cnt:
      (p_hbm, eij_hbm, z2_hbm, z1_hbm, acc_hbm, cnt_hbm,
       idx0, idx1, rows0, rows1, acc_sh, sem0, sem1, ones_v, cnt_sh) = refs
    else:
      (p_hbm, eij_hbm, z2_hbm, acc_hbm,
       idx0, idx1, rows0, rows1, acc_sh, sem0, sem1) = refs
    c = lax.axis_index("c")
    s = lax.axis_index("s")
    wid = s * 2 + c
    pltpu.sync_copy(z2_hbm.at[pl.ds(s * RPS, RPS)],
                    acc_sh.at[pl.ds(s * RPS, RPS)])
    if with_cnt:
      pltpu.sync_copy(z1_hbm.at[pl.ds(s * RPS, RPS)],
                      cnt_sh.at[pl.ds(s * RPS, RPS)])
      for j in range(CH // 16):
        ones_v[pl.ds(j * 16, 16)] = jnp.ones((16,), jnp.float32)
    plsc.subcore_barrier()

    def load_fire(j, idx, rows, sem):
      pltpu.sync_copy(eij_hbm.at[j], idx)
      pltpu.async_copy(p_hbm.at[idx.at[0]], rows, sem)

    def drain_scatter(idx, rows, sem):
      pltpu.make_async_copy(p_hbm.at[idx.at[0]], rows, sem).wait()
      pltpu.sync_copy(rows, acc_sh.at[idx.at[1]], add=True)
      if with_cnt:
        pltpu.sync_copy(ones_v, cnt_sh.at[idx.at[1]], add=True)

    load_fire(wid, idx0, rows0, sem0)

    @pl.loop(0, KPT // 2 - 1)
    def _(i):
      base = wid + 2 * i * NW
      load_fire(base + NW, idx1, rows1, sem1)
      drain_scatter(idx0, rows0, sem0)
      load_fire(base + 2 * NW, idx0, rows0, sem0)
      drain_scatter(idx1, rows1, sem1)

    load_fire(wid + (KPT - 1) * NW, idx1, rows1, sem1)
    drain_scatter(idx0, rows0, sem0)
    drain_scatter(idx1, rows1, sem1)

    plsc.subcore_barrier()
    pltpu.sync_copy(acc_sh.at[pl.ds(s * RPS, RPS)],
                    acc_hbm.at[c, pl.ds(s * RPS, RPS)])
    if with_cnt:
      pltpu.sync_copy(cnt_sh.at[pl.ds(s * RPS, RPS)],
                      cnt_hbm.at[c, pl.ds(s * RPS, RPS)])

  return pl.kernel(
      body, out_type=out_type, mesh=mesh, scratch_types=scratch,
      compiler_params=pltpu.CompilerParams(use_tc_tiling_on_sc=False))


_seg_sum_cnt_64 = _make_seg_sum(64, True)
_seg_sum_32 = _make_seg_sum(32, False)


def _mm_body(x_ref, w_ref, o1_ref, o2_ref):
  xw = jnp.dot(x_ref[...], w_ref[...], preferred_element_type=jnp.float32)
  h = xw.shape[1] // 2
  o1_ref[...] = xw[:, :h]
  o2_ref[...] = xw[:, h:]


def _proj(x, w, bm):
  m, k = x.shape
  n = w.shape[1]
  return pl.pallas_call(
      _mm_body,
      out_shape=[jax.ShapeDtypeStruct((m, n // 2), jnp.float32),
                 jax.ShapeDtypeStruct((m, n // 2), jnp.float32)],
      grid=(m // bm,),
      in_specs=[
          pl.BlockSpec((bm, k), lambda i: (i, 0)),
          pl.BlockSpec((k, n), lambda i: (0, 0)),
      ],
      out_specs=[pl.BlockSpec((bm, n // 2), lambda i: (i, 0)),
                 pl.BlockSpec((bm, n // 2), lambda i: (i, 0))],
  )(x, w)


def _combine_body(a0, a1, c0, c1, r, b, w, o1, o2):
  cnt = jnp.maximum(c0[...] + c1[...], 1.0)
  h = (a0[...] + a1[...]) / cnt + b[...] + r[...]
  h = jnp.maximum(h, 0.0)
  hw = jnp.dot(h, w[...], preferred_element_type=jnp.float32)
  n2 = hw.shape[1] // 2
  o1_ref = hw[:, :n2]
  o1[...] = o1_ref
  o2[...] = hw[:, n2:]


def _combine(acc, c0, c1, r, b, w, bm):
  m, d = r.shape
  n = w.shape[1]
  return pl.pallas_call(
      _combine_body,
      out_shape=[jax.ShapeDtypeStruct((m, n // 2), jnp.float32),
                 jax.ShapeDtypeStruct((m, n // 2), jnp.float32)],
      grid=(m // bm,),
      in_specs=[
          pl.BlockSpec((None, bm, d), lambda i: (0, i, 0)),
          pl.BlockSpec((None, bm, d), lambda i: (1, i, 0)),
          pl.BlockSpec((bm, 1), lambda i: (i, 0)),
          pl.BlockSpec((bm, 1), lambda i: (i, 0)),
          pl.BlockSpec((bm, d), lambda i: (i, 0)),
          pl.BlockSpec((1, d), lambda i: (0, 0)),
          pl.BlockSpec((d, n), lambda i: (0, 0)),
      ],
      out_specs=[pl.BlockSpec((bm, n // 2), lambda i: (i, 0)),
                 pl.BlockSpec((bm, n // 2), lambda i: (i, 0))],
  )(acc, acc, c0, c1, r, b, w)


def _head_body(a0, a1, c0, c1, r, b, w, bh, o):
  cnt = jnp.maximum(c0[...] + c1[...], 1.0)
  h = (a0[...] + a1[...]) / cnt + b[...] + r[...]
  h = jnp.maximum(h, 0.0)
  o[...] = jnp.dot(h, w[...], preferred_element_type=jnp.float32) + bh[...]


def _head(acc, c0, c1, r, b, w, bh, bm):
  m, d = r.shape
  return pl.pallas_call(
      _head_body,
      out_shape=jax.ShapeDtypeStruct((m, 1), jnp.float32),
      grid=(m // bm,),
      in_specs=[
          pl.BlockSpec((None, bm, d), lambda i: (0, i, 0)),
          pl.BlockSpec((None, bm, d), lambda i: (1, i, 0)),
          pl.BlockSpec((bm, 1), lambda i: (i, 0)),
          pl.BlockSpec((bm, 1), lambda i: (i, 0)),
          pl.BlockSpec((bm, d), lambda i: (i, 0)),
          pl.BlockSpec((1, d), lambda i: (0, 0)),
          pl.BlockSpec((d, 1), lambda i: (0, 0)),
          pl.BlockSpec((1, 1), lambda i: (0, 0)),
      ],
      out_specs=pl.BlockSpec((bm, 1), lambda i: (i, 0)),
  )(acc, acc, c0, c1, r, b, w, bh)


@jax.jit
def kernel(x, ei, Wl1, bl1, Wr1, Wl2, bl2, Wr2, Wh, bh):
  eij = ei.astype(jnp.int32).reshape(2, NCH, CH).transpose(1, 0, 2)
  lanes = lax.iota(jnp.int32, CH)
  pad = jnp.broadcast_to(
      jnp.stack([lanes, lanes + N], axis=0)[None], (NCHP - NCH, 2, CH))
  eij = jnp.concatenate([eij, pad], axis=0)

  w1 = jnp.concatenate([Wl1.T, Wr1.T], axis=1)
  p1, r1 = _proj(x, w1, 2000)

  z2 = jnp.zeros((NP, 64), jnp.float32)
  z1 = jnp.zeros((NP,), jnp.float32)
  acc1, cnt = _seg_sum_cnt_64(p1, eij, z2, z1)
  c0 = cnt[0, :N].reshape(N, 1)
  c1 = cnt[1, :N].reshape(N, 1)

  w2 = jnp.concatenate([Wl2.T, Wr2.T], axis=1)
  p2, r2 = _combine(acc1, c0, c1, r1,
                    bl1.reshape(1, 64), w2, 2000)

  z32 = jnp.zeros((NP, 32), jnp.float32)
  (acc2,) = _seg_sum_32(p2, eij, z32)

  out = _head(acc2, c0, c1, r2,
              bl2.reshape(1, 32), Wh.T, bh.reshape(1, 1), 2000)
  return out.reshape(N)

# --- scband reference (transcript-rebuilt; emitter-appended) ---
"""Pipeline reference for scband-sagereg-43130061586945 (READ-ONLY COPY).

The authoritative reference and input builder live on the scoring server;
editing this copy changes nothing except your own understanding.
"""

import jax, jax.numpy as jnp
import numpy as np

N = 10000
E = 320000
D = 128
H = 64

def setup_inputs(seed: int = 0) -> dict:
    key = jax.random.key(seed)
    ks = jax.random.split(key, 10)
    x = jax.random.normal(ks[0], (N, D), dtype=jnp.float32)
    ei = jax.random.randint(ks[1], (2, E), 0, N, dtype=jnp.int64)
    # SAGEConv(d=128, h=64): lin_l (with bias) applied to mean-aggregated neighbors, lin_r (no bias) to root
    Wl1 = jax.random.normal(ks[2], (H, D), dtype=jnp.float32) * (1.0 / np.sqrt(D))
    bl1 = jnp.zeros((H,), dtype=jnp.float32)
    Wr1 = jax.random.normal(ks[3], (H, D), dtype=jnp.float32) * (1.0 / np.sqrt(D))
    # SAGEConv(64, 32)
    Wl2 = jax.random.normal(ks[4], (H // 2, H), dtype=jnp.float32) * (1.0 / np.sqrt(H))
    bl2 = jnp.zeros((H // 2,), dtype=jnp.float32)
    Wr2 = jax.random.normal(ks[5], (H // 2, H), dtype=jnp.float32) * (1.0 / np.sqrt(H))
    # head: Linear(32, 1)
    Wh = jax.random.normal(ks[6], (1, H // 2), dtype=jnp.float32) * (1.0 / np.sqrt(H // 2))
    bh = jnp.zeros((1,), dtype=jnp.float32)
    return {"x": x, "ei": ei, "Wl1": Wl1, "bl1": bl1, "Wr1": Wr1,
            "Wl2": Wl2, "bl2": bl2, "Wr2": Wr2, "Wh": Wh, "bh": bh}

def _sage_conv(x, src, dst, Wl, bl, Wr, num_nodes):
    # PyG SAGEConv with aggr='mean': out = lin_l(mean_{j in N(i)} x_j) + lin_r(x_i)
    msg = jnp.take(x, src, axis=0)
    agg = jax.ops.segment_sum(msg, dst, num_segments=num_nodes)
    cnt = jax.ops.segment_sum(jnp.ones((src.shape[0],), dtype=x.dtype), dst, num_segments=num_nodes)
    mean = agg / jnp.clip(cnt, 1.0, None)[:, None]
    return mean @ Wl.T + bl + x @ Wr.T

def reference(x, ei, Wl1, bl1, Wr1, Wl2, bl2, Wr2, Wh, bh):
    src = ei[0]
    dst = ei[1]
    h = jax.nn.relu(_sage_conv(x, src, dst, Wl1, bl1, Wr1, N))
    # dropout(p=0.1) is identity in eval mode
    h = jax.nn.relu(_sage_conv(h, src, dst, Wl2, bl2, Wr2, N))
    out = h @ Wh.T + bh
    return out.squeeze(-1)

if __name__ == "__main__":
    import jax
    _d = setup_inputs()
    print(jax.jit(kernel)(*tuple(_d.values())))

</pallas_src>

<mosaic_0001>
#map = affine_map<(d0, d1) -> (0, 0)>
#map1 = affine_map<(d0, d1) -> (0, 0, 0)>
#map2 = affine_map<(d0, d1) -> (0)>
module attributes {stable_mosaic.version = 14 : i64} {
  func.func @body(%arg0: i32, %arg1: i32, %arg2: memref<10000x64xf32, #tpu.memory_space<hbm>>, %arg3: memref<2560x2x128xi32, #tpu.memory_space<hbm>>, %arg4: memref<10240x64xf32, #tpu.memory_space<hbm>>, %arg5: memref<10240xf32, #tpu.memory_space<hbm>>, %arg6: memref<2x10240x64xf32, #tpu.memory_space<hbm>>, %arg7: memref<2x10240xf32, #tpu.memory_space<hbm>>, %arg8: memref<2x128xi32, #tpu.memory_space<vmem>>, %arg9: memref<2x128xi32, #tpu.memory_space<vmem>>, %arg10: memref<128x64xf32, #tpu.memory_space<vmem>>, %arg11: memref<128x64xf32, #tpu.memory_space<vmem>>, %arg12: memref<10240x64xf32, #tpu.memory_space<vmem_shared>>, %arg13: memref<!tpu.dma_semaphore, #tpu.memory_space<semaphore_mem>>, %arg14: memref<!tpu.dma_semaphore, #tpu.memory_space<semaphore_mem>>, %arg15: memref<128xf32, #tpu.memory_space<vmem>>, %arg16: memref<10240xf32, #tpu.memory_space<vmem_shared>>) attributes {dimension_semantics = [#tpu.dimension_semantics<core_parallel>, #tpu.dimension_semantics<subcore_parallel>], iteration_bounds = array<i64: 2, 16>, scalar_prefetch = 0 : i64, scratch_operands = 9 : i64, tpu.core_type = #tpu.core_type<sc_vector_subcore>, window_params = [{transform_indices = #map}, {transform_indices = #map1}, {transform_indices = #map}, {transform_indices = #map2}, {transform_indices = #map1}, {transform_indices = #map}]} {
    %mul3A = arith.constant 2 : i32
    %mul3A_0 = arith.muli %arg1, %mul3A : i32
    %add3A = arith.addi %mul3A_0, %arg0 : i32
    %mul3A_1 = arith.constant 640 : i32
    %mul3A_2 = arith.muli %arg1, %mul3A_1 : i32
    %mul3A_3 = arith.constant 640 : i32
    %mul3A_4 = arith.muli %arg1, %mul3A_3 : i32
    "tpu.region"() ({
      %run_scoped3A_99 = tpu.sem_alloc : memref<!tpu.dma_semaphore, #tpu.memory_space<semaphore_mem>>
      %dma_start3A_100 = arith.constant 0 : i32
      %dma_start3A_101 = tpu.memref_slice %arg12[%mul3A_4, %dma_start3A_100] : memref<10240x64xf32, #tpu.memory_space<vmem_shared>> -> memref<640x64xf32, #tpu.memory_space<vmem_shared>>
      %dma_start3A_102 = arith.constant 0 : i32
      %dma_start3A_103 = tpu.memref_slice %arg4[%mul3A_2, %dma_start3A_102] : memref<10240x64xf32, #tpu.memory_space<hbm>> -> memref<640x64xf32, #tpu.memory_space<hbm>>
      tpu.enqueue_dma source(%dma_start3A_103 : memref<640x64xf32, #tpu.memory_space<hbm>>) target(%dma_start3A_101 : memref<640x64xf32, #tpu.memory_space<vmem_shared>>) target_semaphore(%run_scoped3A_99 : memref<!tpu.dma_semaphore, #tpu.memory_space<semaphore_mem>>)
      %dma_wait3A_104 = arith.constant 0 : i32
      %dma_wait3A_105 = tpu.memref_slice %arg12[%mul3A_4, %dma_wait3A_104] : memref<10240x64xf32, #tpu.memory_space<vmem_shared>> -> memref<640x64xf32, #tpu.memory_space<vmem_shared>>
      %dma_wait3A_106 = arith.constant 0 : i32
      %dma_wait3A_107 = tpu.memref_slice %arg4[%mul3A_2, %dma_wait3A_106] : memref<10240x64xf32, #tpu.memory_space<hbm>> -> memref<640x64xf32, #tpu.memory_space<hbm>>
      tpu.wait_dma2 semaphore(%run_scoped3A_99 : memref<!tpu.dma_semaphore, #tpu.memory_space<semaphore_mem>>) src(%dma_wait3A_107 : memref<640x64xf32, #tpu.memory_space<hbm>>) dst(%dma_wait3A_105 : memref<640x64xf32, #tpu.memory_space<vmem_shared>>)
      tpu.yield
    }) : () -> ()
    %mul3A_5 = arith.constant 640 : i32
    %mul3A_6 = arith.muli %arg1, %mul3A_5 : i32
    %mul3A_7 = arith.constant 640 : i32
    %mul3A_8 = arith.muli %arg1, %mul3A_7 : i32
    "tpu.region"() ({
      %run_scoped3A_99 = tpu.sem_alloc : memref<!tpu.dma_semaphore, #tpu.memory_space<semaphore_mem>>
      %dma_start3A_100 = tpu.memref_slice %arg16[%mul3A_8] : memref<10240xf32, #tpu.memory_space<vmem_shared>> -> memref<640xf32, #tpu.memory_space<vmem_shared>>
      %dma_start3A_101 = tpu.memref_slice %arg5[%mul3A_6] : memref<10240xf32, #tpu.memory_space<hbm>> -> memref<640xf32, #tpu.memory_space<hbm>>
      tpu.enqueue_dma source(%dma_start3A_101 : memref<640xf32, #tpu.memory_space<hbm>>) target(%dma_start3A_100 : memref<640xf32, #tpu.memory_space<vmem_shared>>) target_semaphore(%run_scoped3A_99 : memref<!tpu.dma_semaphore, #tpu.memory_space<semaphore_mem>>)
      %dma_wait3A_102 = tpu.memref_slice %arg16[%mul3A_8] : memref<10240xf32, #tpu.memory_space<vmem_shared>> -> memref<640xf32, #tpu.memory_space<vmem_shared>>
      %dma_wait3A_103 = tpu.memref_slice %arg5[%mul3A_6] : memref<10240xf32, #tpu.memory_space<hbm>> -> memref<640xf32, #tpu.memory_space<hbm>>
      tpu.wait_dma2 semaphore(%run_scoped3A_99 : memref<!tpu.dma_semaphore, #tpu.memory_space<semaphore_mem>>) src(%dma_wait3A_103 : memref<640xf32, #tpu.memory_space<hbm>>) dst(%dma_wait3A_102 : memref<640xf32, #tpu.memory_space<vmem_shared>>)
      tpu.yield
    }) : () -> ()
    %broadcast_in_dim3A = arith.constant 1.000000e+00 : f32
    %broadcast_in_dim3A_9 = vector.broadcast %broadcast_in_dim3A : f32 to vector<16xf32>
    %swap3A = arith.constant 0 : index
    %swap3A_10 = tpu.vector_load %arg15[%swap3A] {strides = array<i32>} : memref<128xf32, #tpu.memory_space<vmem>>, vector<16xf32>,
    %swap3A_11 = vector.shape_cast %swap3A_10 : vector<16xf32> to vector<16xf32>
    %swap3A_12 = vector.shape_cast %broadcast_in_dim3A_9 : vector<16xf32> to vector<16xf32>
    tpu.vector_store %arg15[%swap3A], %swap3A_12 {strides = array<i32>} : memref<128xf32, #tpu.memory_space<vmem>>, vector<16xf32>,
    %broadcast_in_dim3A_13 = arith.constant 1.000000e+00 : f32
    %broadcast_in_dim3A_14 = vector.broadcast %broadcast_in_dim3A_13 : f32 to vector<16xf32>
    %swap3A_15 = arith.constant 16 : index
    %swap3A_16 = tpu.vector_load %arg15[%swap3A_15] {strides = array<i32>} : memref<128xf32, #tpu.memory_space<vmem>>, vector<16xf32>,
    %swap3A_17 = vector.shape_cast %swap3A_16 : vector<16xf32> to vector<16xf32>
    %swap3A_18 = vector.shape_cast %broadcast_in_dim3A_14 : vector<16xf32> to vector<16xf32>
    tpu.vector_store %arg15[%swap3A_15], %swap3A_18 {strides = array<i32>} : memref<128xf32, #tpu.memory_space<vmem>>, vector<16xf32>,
    %broadcast_in_dim3A_19 = arith.constant 1.000000e+00 : f32
    %broadcast_in_dim3A_20 = vector.broadcast %broadcast_in_dim3A_19 : f32 to vector<16xf32>
    %swap3A_21 = arith.constant 32 : index
    %swap3A_22 = tpu.vector_load %arg15[%swap3A_21] {strides = array<i32>} : memref<128xf32, #tpu.memory_space<vmem>>, vector<16xf32>,
    %swap3A_23 = vector.shape_cast %swap3A_22 : vector<16xf32> to vector<16xf32>
    %swap3A_24 = vector.shape_cast %broadcast_in_dim3A_20 : vector<16xf32> to vector<16xf32>
    tpu.vector_store %arg15[%swap3A_21], %swap3A_24 {strides = array<i32>} : memref<128xf32, #tpu.memory_space<vmem>>, vector<16xf32>,
    %broadcast_in_dim3A_25 = arith.constant 1.000000e+00 : f32
    %broadcast_in_dim3A_26 = vector.broadcast %broadcast_in_dim3A_25 : f32 to vector<16xf32>
    %swap3A_27 = arith.constant 48 : index
    %swap3A_28 = tpu.vector_load %arg15[%swap3A_27] {strides = array<i32>} : memref<128xf32, #tpu.memory_space<vmem>>, vector<16xf32>,
    %swap3A_29 = vector.shape_cast %swap3A_28 : vector<16xf32> to vector<16xf32>
    %swap3A_30 = vector.shape_cast %broadcast_in_dim3A_26 : vector<16xf32> to vector<16xf32>
    tpu.vector_store %arg15[%swap3A_27], %swap3A_30 {strides = array<i32>} : memref<128xf32, #tpu.memory_space<vmem>>, vector<16xf32>,
    %broadcast_in_dim3A_31 = arith.constant 1.000000e+00 : f32
    %broadcast_in_dim3A_32 = vector.broadcast %broadcast_in_dim3A_31 : f32 to vector<16xf32>
    %swap3A_33 = arith.constant 64 : index
    %swap3A_34 = tpu.vector_load %arg15[%swap3A_33] {strides = array<i32>} : memref<128xf32, #tpu.memory_space<vmem>>, vector<16xf32>,
    %swap3A_35 = vector.shape_cast %swap3A_34 : vector<16xf32> to vector<16xf32>
    %swap3A_36 = vector.shape_cast %broadcast_in_dim3A_32 : vector<16xf32> to vector<16xf32>
    tpu.vector_store %arg15[%swap3A_33], %swap3A_36 {strides = array<i32>} : memref<128xf32, #tpu.memory_space<vmem>>, vector<16xf32>,
    %broadcast_in_dim3A_37 = arith.constant 1.000000e+00 : f32
    %broadcast_in_dim3A_38 = vector.broadcast %broadcast_in_dim3A_37 : f32 to vector<16xf32>
    %swap3A_39 = arith.constant 80 : index
    %swap3A_40 = tpu.vector_load %arg15[%swap3A_39] {strides = array<i32>} : memref<128xf32, #tpu.memory_space<vmem>>, vector<16xf32>,
    %swap3A_41 = vector.shape_cast %swap3A_40 : vector<16xf32> to vector<16xf32>
    %swap3A_42 = vector.shape_cast %broadcast_in_dim3A_38 : vector<16xf32> to vector<16xf32>
    tpu.vector_store %arg15[%swap3A_39], %swap3A_42 {strides = array<i32>} : memref<128xf32, #tpu.memory_space<vmem>>, vector<16xf32>,
    %broadcast_in_dim3A_43 = arith.constant 1.000000e+00 : f32
    %broadcast_in_dim3A_44 = vector.broadcast %broadcast_in_dim3A_43 : f32 to vector<16xf32>
    %swap3A_45 = arith.constant 96 : index
    %swap3A_46 = tpu.vector_load %arg15[%swap3A_45] {strides = array<i32>} : memref<128xf32, #tpu.memory_space<vmem>>, vector<16xf32>,
    %swap3A_47 = vector.shape_cast %swap3A_46 : vector<16xf32> to vector<16xf32>
    %swap3A_48 = vector.shape_cast %broadcast_in_dim3A_44 : vector<16xf32> to vector<16xf32>
    tpu.vector_store %arg15[%swap3A_45], %swap3A_48 {strides = array<i32>} : memref<128xf32, #tpu.memory_space<vmem>>, vector<16xf32>,
    %broadcast_in_dim3A_49 = arith.constant 1.000000e+00 : f32
    %broadcast_in_dim3A_50 = vector.broadcast %broadcast_in_dim3A_49 : f32 to vector<16xf32>
    %swap3A_51 = arith.constant 112 : index
    %swap3A_52 = tpu.vector_load %arg15[%swap3A_51] {strides = array<i32>} : memref<128xf32, #tpu.memory_space<vmem>>, vector<16xf32>,
    %swap3A_53 = vector.shape_cast %swap3A_52 : vector<16xf32> to vector<16xf32>
    %swap3A_54 = vector.shape_cast %broadcast_in_dim3A_50 : vector<16xf32> to vector<16xf32>
    tpu.vector_store %arg15[%swap3A_51], %swap3A_54 {strides = array<i32>} : memref<128xf32, #tpu.memory_space<vmem>>, vector<16xf32>,
    %barrier3A = arith.constant 0 : index
    tpu.barrier barrier_id(%barrier3A)
    "tpu.region"() ({
      %run_scoped3A_99 = tpu.sem_alloc : memref<!tpu.dma_semaphore, #tpu.memory_space<semaphore_mem>>
      %dma_start3A_100 = arith.constant 0 : i32
      %dma_start3A_101 = arith.constant 0 : i32
      %dma_start3A_102 = tpu.memref_slice %arg3[%add3A, %dma_start3A_100, %dma_start3A_101] : memref<2560x2x128xi32, #tpu.memory_space<hbm>> -> memref<1x2x128xi32, #tpu.memory_space<hbm>>
      %dma_start3A_103 = tpu.memref_squeeze %dma_start3A_102 : memref<1x2x128xi32, #tpu.memory_space<hbm>> -> memref<2x128xi32, #tpu.memory_space<hbm>>
      %dma_start3A_104 = arith.constant 0 : i32
      %dma_start3A_105 = arith.constant 0 : i32
      %dma_start3A_106 = tpu.memref_slice %arg3[%add3A, %dma_start3A_104, %dma_start3A_105] : memref<2560x2x128xi32, #tpu.memory_space<hbm>> -> memref<1x2x128xi32, #tpu.memory_space<hbm>>
      %dma_start3A_107 = tpu.memref_squeeze %dma_start3A_106 : memref<1x2x128xi32, #tpu.memory_space<hbm>> -> memref<2x128xi32, #tpu.memory_space<hbm>>
      tpu.enqueue_dma source(%dma_start3A_107 : memref<2x128xi32, #tpu.memory_space<hbm>>) target(%arg8 : memref<2x128xi32, #tpu.memory_space<vmem>>) target_semaphore(%run_scoped3A_99 : memref<!tpu.dma_semaphore, #tpu.memory_space<semaphore_mem>>)
      %dma_wait3A_108 = arith.constant 0 : i32
      %dma_wait3A_109 = arith.constant 0 : i32
      %dma_wait3A_110 = tpu.memref_slice %arg3[%add3A, %dma_wait3A_108, %dma_wait3A_109] : memref<2560x2x128xi32, #tpu.memory_space<hbm>> -> memref<1x2x128xi32, #tpu.memory_space<hbm>>
      %dma_wait3A_111 = tpu.memref_squeeze %dma_wait3A_110 : memref<1x2x128xi32, #tpu.memory_space<hbm>> -> memref<2x128xi32, #tpu.memory_space<hbm>>
      %dma_wait3A_112 = arith.constant 0 : i32
      %dma_wait3A_113 = arith.constant 0 : i32
      %dma_wait3A_114 = tpu.memref_slice %arg3[%add3A, %dma_wait3A_112, %dma_wait3A_113] : memref<2560x2x128xi32, #tpu.memory_space<hbm>> -> memref<1x2x128xi32, #tpu.memory_space<hbm>>
      %dma_wait3A_115 = tpu.memref_squeeze %dma_wait3A_114 : memref<1x2x128xi32, #tpu.memory_space<hbm>> -> memref<2x128xi32, #tpu.memory_space<hbm>>
      tpu.wait_dma2 semaphore(%run_scoped3A_99 : memref<!tpu.dma_semaphore, #tpu.memory_space<semaphore_mem>>) src(%dma_wait3A_115 : memref<2x128xi32, #tpu.memory_space<hbm>>) dst(%arg8 : memref<2x128xi32, #tpu.memory_space<vmem>>)
      tpu.yield
    }) : () -> ()
    %dma_start3A = arith.constant 0 : i32
    %dma_start3A_55 = arith.constant 0 : i32
    %dma_start3A_56 = tpu.memref_slice %arg8[%dma_start3A, %dma_start3A_55] : memref<2x128xi32, #tpu.memory_space<vmem>> -> memref<1x128xi32, #tpu.memory_space<vmem>>
    %dma_start3A_57 = tpu.memref_squeeze %dma_start3A_56 : memref<1x128xi32, #tpu.memory_space<vmem>> -> memref<128xi32, #tpu.memory_space<vmem>>
    %dma_start3A_58 = arith.constant 0 : i32
    %dma_start3A_59 = arith.constant 0 : i32
    %dma_start3A_60 = tpu.memref_slice %arg2[%dma_start3A_58, %dma_start3A_59] : memref<10000x64xf32, #tpu.memory_space<hbm>> -> memref<10000x64xf32, #tpu.memory_space<hbm>>
    tpu.enqueue_indirect_dma source(%dma_start3A_60 : memref<10000x64xf32, #tpu.memory_space<hbm>>) target(%arg10 : memref<128x64xf32, #tpu.memory_space<vmem>>) offsets(%dma_start3A_57 : memref<128xi32, #tpu.memory_space<vmem>>) semaphore(%arg13 : memref<!tpu.dma_semaphore, #tpu.memory_space<semaphore_mem>>)
    %scan3A = arith.constant 0 : i32
    %scan3A_61 = arith.constant 39 : i32
    %scan3A_62 = arith.addi %scan3A, %scan3A_61 : i32
    %scan3A_63 = arith.constant 1 : i32
    scf.for %scan3A_99 = %scan3A to %scan3A_62 step %scan3A_63  : i32 {
      %mul3A_100 = arith.constant 1 : i32
      %mul3A_101 = arith.muli %scan3A_99, %mul3A_100 : i32
      %add3A_102 = arith.constant 0 : i32
      %add3A_103 = arith.addi %add3A_102, %mul3A_101 : i32
      %mul3A_104 = arith.constant 2 : i32
      %mul3A_105 = arith.muli %mul3A_104, %add3A_103 : i32
      %mul3A_106 = arith.constant 32 : i32
      %mul3A_107 = arith.muli %mul3A_105, %mul3A_106 : i32
      %add3A_108 = arith.addi %add3A, %mul3A_107 : i32
      %add3A_109 = arith.constant 32 : i32
      %add3A_110 = arith.addi %add3A_108, %add3A_109 : i32
      "tpu.region"() ({
        %run_scoped3A_145 = tpu.sem_alloc : memref<!tpu.dma_semaphore, #tpu.memory_space<semaphore_mem>>
        %dma_start3A_146 = arith.constant 0 : i32
        %dma_start3A_147 = arith.constant 0 : i32
        %dma_start3A_148 = tpu.memref_slice %arg3[%add3A_110, %dma_start3A_146, %dma_start3A_147] : memref<2560x2x128xi32, #tpu.memory_space<hbm>> -> memref<1x2x128xi32, #tpu.memory_space<hbm>>
        %dma_start3A_149 = tpu.memref_squeeze %dma_start3A_148 : memref<1x2x128xi32, #tpu.memory_space<hbm>> -> memref<2x128xi32, #tpu.memory_space<hbm>>
        %dma_start3A_150 = arith.constant 0 : i32
        %dma_start3A_151 = arith.constant 0 : i32
        %dma_start3A_152 = tpu.memref_slice %arg3[%add3A_110, %dma_start3A_150, %dma_start3A_151] : memref<2560x2x128xi32, #tpu.memory_space<hbm>> -> memref<1x2x128xi32, #tpu.memory_space<hbm>>
        %dma_start3A_153 = tpu.memref_squeeze %dma_start3A_152 : memref<1x2x128xi32, #tpu.memory_space<hbm>> -> memref<2x128xi32, #tpu.memory_space<hbm>>
        tpu.enqueue_dma source(%dma_start3A_153 : memref<2x128xi32, #tpu.memory_space<hbm>>) target(%arg9 : memref<2x128xi32, #tpu.memory_space<vmem>>) target_semaphore(%run_scoped3A_145 : memref<!tpu.dma_semaphore, #tpu.memory_space<semaphore_mem>>)
        %dma_wait3A_154 = arith.constant 0 : i32
        %dma_wait3A_155 = arith.constant 0 : i32
        %dma_wait3A_156 = tpu.memref_slice %arg3[%add3A_110, %dma_wait3A_154, %dma_wait3A_155] : memref<2560x2x128xi32, #tpu.memory_space<hbm>> -> memref<1x2x128xi32, #tpu.memory_space<hbm>>
        %dma_wait3A_157 = tpu.memref_squeeze %dma_wait3A_156 : memref<1x2x128xi32, #tpu.memory_space<hbm>> -> memref<2x128xi32, #tpu.memory_space<hbm>>
        %dma_wait3A_158 = arith.constant 0 : i32
        %dma_wait3A_159 = arith.constant 0 : i32
        %dma_wait3A_160 = tpu.memref_slice %arg3[%add3A_110, %dma_wait3A_158, %dma_wait3A_159] : memref<2560x2x128xi32, #tpu.memory_space<hbm>> -> memref<1x2x128xi32, #tpu.memory_space<hbm>>
        %dma_wait3A_161 = tpu.memref_squeeze %dma_wait3A_160 : memref<1x2x128xi32, #tpu.memory_space<hbm>> -> memref<2x128xi32, #tpu.memory_space<hbm>>
        tpu.wait_dma2 semaphore(%run_scoped3A_145 : memref<!tpu.dma_semaphore, #tpu.memory_space<semaphore_mem>>) src(%dma_wait3A_161 : memref<2x128xi32, #tpu.memory_space<hbm>>) dst(%arg9 : memref<2x128xi32, #tpu.memory_space<vmem>>)
        tpu.yield
      }) : () -> ()
      %dma_start3A_111 = arith.constant 0 : i32
      %dma_start3A_112 = arith.constant 0 : i32
      %dma_start3A_113 = tpu.memref_slice %arg9[%dma_start3A_111, %dma_start3A_112] : memref<2x128xi32, #tpu.memory_space<vmem>> -> memref<1x128xi32, #tpu.memory_space<vmem>>
      %dma_start3A_114 = tpu.memref_squeeze %dma_start3A_113 : memref<1x128xi32, #tpu.memory_space<vmem>> -> memref<128xi32, #tpu.memory_space<vmem>>
      %dma_start3A_115 = arith.constant 0 : i32
      %dma_start3A_116 = arith.constant 0 : i32
      %dma_start3A_117 = tpu.memref_slice %arg2[%dma_start3A_115, %dma_start3A_116] : memref<10000x64xf32, #tpu.memory_space<hbm>> -> memref<10000x64xf32, #tpu.memory_space<hbm>>
      tpu.enqueue_indirect_dma source(%dma_start3A_117 : memref<10000x64xf32, #tpu.memory_space<hbm>>) target(%arg11 : memref<128x64xf32, #tpu.memory_space<vmem>>) offsets(%dma_start3A_114 : memref<128xi32, #tpu.memory_space<vmem>>) semaphore(%arg14 : memref<!tpu.dma_semaphore, #tpu.memory_space<semaphore_mem>>)
      %dma_wait3A_118 = arith.constant 0 : i32
      %dma_wait3A_119 = arith.constant 0 : i32
      %dma_wait3A_120 = tpu.memref_slice %arg8[%dma_wait3A_118, %dma_wait3A_119] : memref<2x128xi32, #tpu.memory_space<vmem>> -> memref<1x128xi32, #tpu.memory_space<vmem>>
      %dma_wait3A_121 = tpu.memref_squeeze %dma_wait3A_120 : memref<1x128xi32, #tpu.memory_space<vmem>> -> memref<128xi32, #tpu.memory_space<vmem>>
      %dma_wait3A_122 = arith.constant 0 : i32
      %dma_wait3A_123 = arith.constant 0 : i32
      %dma_wait3A_124 = tpu.memref_slice %arg2[%dma_wait3A_122, %dma_wait3A_123] : memref<10000x64xf32, #tpu.memory_space<hbm>> -> memref<10000x64xf32, #tpu.memory_space<hbm>>
      tpu.wait_indirect_dma semaphore(%arg13 : memref<!tpu.dma_semaphore, #tpu.memory_space<semaphore_mem>>) src(%dma_wait3A_124 : memref<10000x64xf32, #tpu.memory_space<hbm>>) dst(%arg10 : memref<128x64xf32, #tpu.memory_space<vmem>>)
      %run_scoped3A_125 = arith.constant 1 : i32
      "tpu.region"() ({
        %run_scoped3A_145 = tpu.sem_alloc : memref<!tpu.dma_semaphore, #tpu.memory_space<semaphore_mem>>
        %dma_start3A_146 = arith.constant 0 : i32
        %dma_start3A_147 = tpu.memref_slice %arg8[%run_scoped3A_125, %dma_start3A_146] : memref<2x128xi32, #tpu.memory_space<vmem>> -> memref<1x128xi32, #tpu.memory_space<vmem>>
        %dma_start3A_148 = tpu.memref_squeeze %dma_start3A_147 : memref<1x128xi32, #tpu.memory_space<vmem>> -> memref<128xi32, #tpu.memory_space<vmem>>
        %dma_start3A_149 = arith.constant 0 : i32
        %dma_start3A_150 = arith.constant 0 : i32
        %dma_start3A_151 = tpu.memref_slice %arg12[%dma_start3A_149, %dma_start3A_150] : memref<10240x64xf32, #tpu.memory_space<vmem_shared>> -> memref<10240x64xf32, #tpu.memory_space<vmem_shared>>
        tpu.enqueue_indirect_dma source(%arg10 : memref<128x64xf32, #tpu.memory_space<vmem>>) target(%dma_start3A_151 : memref<10240x64xf32, #tpu.memory_space<vmem_shared>>) offsets(%dma_start3A_148 : memref<128xi32, #tpu.memory_space<vmem>>) semaphore(%run_scoped3A_145 : memref<!tpu.dma_semaphore, #tpu.memory_space<semaphore_mem>>) {add = true}
        %dma_wait3A_152 = arith.constant 0 : i32
        %dma_wait3A_153 = tpu.memref_slice %arg8[%run_scoped3A_125, %dma_wait3A_152] : memref<2x128xi32, #tpu.memory_space<vmem>> -> memref<1x128xi32, #tpu.memory_space<vmem>>
        %dma_wait3A_154 = tpu.memref_squeeze %dma_wait3A_153 : memref<1x128xi32, #tpu.memory_space<vmem>> -> memref<128xi32, #tpu.memory_space<vmem>>
        %dma_wait3A_155 = arith.constant 0 : i32
        %dma_wait3A_156 = arith.constant 0 : i32
        %dma_wait3A_157 = tpu.memref_slice %arg12[%dma_wait3A_155, %dma_wait3A_156] : memref<10240x64xf32, #tpu.memory_space<vmem_shared>> -> memref<10240x64xf32, #tpu.memory_space<vmem_shared>>
        tpu.wait_indirect_dma semaphore(%run_scoped3A_145 : memref<!tpu.dma_semaphore, #tpu.memory_space<semaphore_mem>>) src(%arg10 : memref<128x64xf32, #tpu.memory_space<vmem>>) dst(%dma_wait3A_157 : memref<10240x64xf32, #tpu.memory_space<vmem_shared>>)
        tpu.yield
      }) : () -> ()
      %run_scoped3A_126 = arith.constant 1 : i32
      "tpu.region"() ({
        %run_scoped3A_145 = tpu.sem_alloc : memref<!tpu.dma_semaphore, #tpu.memory_space<semaphore_mem>>
        %dma_start3A_146 = arith.constant 0 : i32
        %dma_start3A_147 = tpu.memref_slice %arg8[%run_scoped3A_126, %dma_start3A_146] : memref<2x128xi32, #tpu.memory_space<vmem>> -> memref<1x128xi32, #tpu.memory_space<vmem>>
        %dma_start3A_148 = tpu.memref_squeeze %dma_start3A_147 : memref<1x128xi32, #tpu.memory_space<vmem>> -> memref<128xi32, #tpu.memory_space<vmem>>
        %dma_start3A_149 = arith.constant 0 : i32
        %dma_start3A_150 = tpu.memref_slice %arg16[%dma_start3A_149] : memref<10240xf32, #tpu.memory_space<vmem_shared>> -> memref<10240xf32, #tpu.memory_space<vmem_shared>>
        tpu.enqueue_indirect_dma source(%arg15 : memref<128xf32, #tpu.memory_space<vmem>>) target(%dma_start3A_150 : memref<10240xf32, #tpu.memory_space<vmem_shared>>) offsets(%dma_start3A_148 : memref<128xi32, #tpu.memory_space<vmem>>) semaphore(%run_scoped3A_145 : memref<!tpu.dma_semaphore, #tpu.memory_space<semaphore_mem>>) {add = true}
        %dma_wait3A_151 = arith.constant 0 : i32
        %dma_wait3A_152 = tpu.memref_slice %arg8[%run_scoped3A_126, %dma_wait3A_151] : memref<2x128xi32, #tpu.memory_space<vmem>> -> memref<1x128xi32, #tpu.memory_space<vmem>>
        %dma_wait3A_153 = tpu.memref_squeeze %dma_wait3A_152 : memref<1x128xi32, #tpu.memory_space<vmem>> -> memref<128xi32, #tpu.memory_space<vmem>>
        %dma_wait3A_154 = arith.constant 0 : i32
        %dma_wait3A_155 = tpu.memref_slice %arg16[%dma_wait3A_154] : memref<10240xf32, #tpu.memory_space<vmem_shared>> -> memref<10240xf32, #tpu.memory_space<vmem_shared>>
        tpu.wait_indirect_dma semaphore(%run_scoped3A_145 : memref<!tpu.dma_semaphore, #tpu.memory_space<semaphore_mem>>) src(%arg15 : memref<128xf32, #tpu.memory_space<vmem>>) dst(%dma_wait3A_155 : memref<10240xf32, #tpu.memory_space<vmem_shared>>)
        tpu.yield
      }) : () -> ()
      %add3A_127 = arith.constant 64 : i32
      %add3A_128 = arith.addi %add3A_108, %add3A_127 : i32
      "tpu.region"() ({
        %run_scoped3A_145 = tpu.sem_alloc : memref<!tpu.dma_semaphore, #tpu.memory_space<semaphore_mem>>
        %dma_start3A_146 = arith.constant 0 : i32
        %dma_start3A_147 = arith.constant 0 : i32
        %dma_start3A_148 = tpu.memref_slice %arg3[%add3A_128, %dma_start3A_146, %dma_start3A_147] : memref<2560x2x128xi32, #tpu.memory_space<hbm>> -> memref<1x2x128xi32, #tpu.memory_space<hbm>>
        %dma_start3A_149 = tpu.memref_squeeze %dma_start3A_148 : memref<1x2x128xi32, #tpu.memory_space<hbm>> -> memref<2x128xi32, #tpu.memory_space<hbm>>
        %dma_start3A_150 = arith.constant 0 : i32
        %dma_start3A_151 = arith.constant 0 : i32
        %dma_start3A_152 = tpu.memref_slice %arg3[%add3A_128, %dma_start3A_150, %dma_start3A_151] : memref<2560x2x128xi32, #tpu.memory_space<hbm>> -> memref<1x2x128xi32, #tpu.memory_space<hbm>>
        %dma_start3A_153 = tpu.memref_squeeze %dma_start3A_152 : memref<1x2x128xi32, #tpu.memory_space<hbm>> -> memref<2x128xi32, #tpu.memory_space<hbm>>
        tpu.enqueue_dma source(%dma_start3A_153 : memref<2x128xi32, #tpu.memory_space<hbm>>) target(%arg8 : memref<2x128xi32, #tpu.memory_space<vmem>>) target_semaphore(%run_scoped3A_145 : memref<!tpu.dma_semaphore, #tpu.memory_space<semaphore_mem>>)
        %dma_wait3A_154 = arith.constant 0 : i32
        %dma_wait3A_155 = arith.constant 0 : i32
        %dma_wait3A_156 = tpu.memref_slice %arg3[%add3A_128, %dma_wait3A_154, %dma_wait3A_155] : memref<2560x2x128xi32, #tpu.memory_space<hbm>> -> memref<1x2x128xi32, #tpu.memory_space<hbm>>
        %dma_wait3A_157 = tpu.memref_squeeze %dma_wait3A_156 : memref<1x2x128xi32, #tpu.memory_space<hbm>> -> memref<2x128xi32, #tpu.memory_space<hbm>>
        %dma_wait3A_158 = arith.constant 0 : i32
        %dma_wait3A_159 = arith.constant 0 : i32
        %dma_wait3A_160 = tpu.memref_slice %arg3[%add3A_128, %dma_wait3A_158, %dma_wait3A_159] : memref<2560x2x128xi32, #tpu.memory_space<hbm>> -> memref<1x2x128xi32, #tpu.memory_space<hbm>>
        %dma_wait3A_161 = tpu.memref_squeeze %dma_wait3A_160 : memref<1x2x128xi32, #tpu.memory_space<hbm>> -> memref<2x128xi32, #tpu.memory_space<hbm>>
        tpu.wait_dma2 semaphore(%run_scoped3A_145 : memref<!tpu.dma_semaphore, #tpu.memory_space<semaphore_mem>>) src(%dma_wait3A_161 : memref<2x128xi32, #tpu.memory_space<hbm>>) dst(%arg8 : memref<2x128xi32, #tpu.memory_space<vmem>>)
        tpu.yield
      }) : () -> ()
      %dma_start3A_129 = arith.constant 0 : i32
      %dma_start3A_130 = arith.constant 0 : i32
      %dma_start3A_131 = tpu.memref_slice %arg8[%dma_start3A_129, %dma_start3A_130] : memref<2x128xi32, #tpu.memory_space<vmem>> -> memref<1x128xi32, #tpu.memory_space<vmem>>
      %dma_start3A_132 = tpu.memref_squeeze %dma_start3A_131 : memref<1x128xi32, #tpu.memory_space<vmem>> -> memref<128xi32, #tpu.memory_space<vmem>>
      %dma_start3A_133 = arith.constant 0 : i32
      %dma_start3A_134 = arith.constant 0 : i32
      %dma_start3A_135 = tpu.memref_slice %arg2[%dma_start3A_133, %dma_start3A_134] : memref<10000x64xf32, #tpu.memory_space<hbm>> -> memref<10000x64xf32, #tpu.memory_space<hbm>>
      tpu.enqueue_indirect_dma source(%dma_start3A_135 : memref<10000x64xf32, #tpu.memory_space<hbm>>) target(%arg10 : memref<128x64xf32, #tpu.memory_space<vmem>>) offsets(%dma_start3A_132 : memref<128xi32, #tpu.memory_space<vmem>>) semaphore(%arg13 : memref<!tpu.dma_semaphore, #tpu.memory_space<semaphore_mem>>)
      %dma_wait3A_136 = arith.constant 0 : i32
      %dma_wait3A_137 = arith.constant 0 : i32
      %dma_wait3A_138 = tpu.memref_slice %arg9[%dma_wait3A_136, %dma_wait3A_137] : memref<2x128xi32, #tpu.memory_space<vmem>> -> memref<1x128xi32, #tpu.memory_space<vmem>>
      %dma_wait3A_139 = tpu.memref_squeeze %dma_wait3A_138 : memref<1x128xi32, #tpu.memory_space<vmem>> -> memref<128xi32, #tpu.memory_space<vmem>>
      %dma_wait3A_140 = arith.constant 0 : i32
      %dma_wait3A_141 = arith.constant 0 : i32
      %dma_wait3A_142 = tpu.memref_slice %arg2[%dma_wait3A_140, %dma_wait3A_141] : memref<10000x64xf32, #tpu.memory_space<hbm>> -> memref<10000x64xf32, #tpu.memory_space<hbm>>
      tpu.wait_indirect_dma semaphore(%arg14 : memref<!tpu.dma_semaphore, #tpu.memory_space<semaphore_mem>>) src(%dma_wait3A_142 : memref<10000x64xf32, #tpu.memory_space<hbm>>) dst(%arg11 : memref<128x64xf32, #tpu.memory_space<vmem>>)
      %run_scoped3A_143 = arith.constant 1 : i32
      "tpu.region"() ({
        %run_scoped3A_145 = tpu.sem_alloc : memref<!tpu.dma_semaphore, #tpu.memory_space<semaphore_mem>>
        %dma_start3A_146 = arith.constant 0 : i32
        %dma_start3A_147 = tpu.memref_slice %arg9[%run_scoped3A_143, %dma_start3A_146] : memref<2x128xi32, #tpu.memory_space<vmem>> -> memref<1x128xi32, #tpu.memory_space<vmem>>
        %dma_start3A_148 = tpu.memref_squeeze %dma_start3A_147 : memref<1x128xi32, #tpu.memory_space<vmem>> -> memref<128xi32, #tpu.memory_space<vmem>>
        %dma_start3A_149 = arith.constant 0 : i32
        %dma_start3A_150 = arith.constant 0 : i32
        %dma_start3A_151 = tpu.memref_slice %arg12[%dma_start3A_149, %dma_start3A_150] : memref<10240x64xf32, #tpu.memory_space<vmem_shared>> -> memref<10240x64xf32, #tpu.memory_space<vmem_shared>>
        tpu.enqueue_indirect_dma source(%arg11 : memref<128x64xf32, #tpu.memory_space<vmem>>) target(%dma_start3A_151 : memref<10240x64xf32, #tpu.memory_space<vmem_shared>>) offsets(%dma_start3A_148 : memref<128xi32, #tpu.memory_space<vmem>>) semaphore(%run_scoped3A_145 : memref<!tpu.dma_semaphore, #tpu.memory_space<semaphore_mem>>) {add = true}
        %dma_wait3A_152 = arith.constant 0 : i32
        %dma_wait3A_153 = tpu.memref_slice %arg9[%run_scoped3A_143, %dma_wait3A_152] : memref<2x128xi32, #tpu.memory_space<vmem>> -> memref<1x128xi32, #tpu.memory_space<vmem>>
        %dma_wait3A_154 = tpu.memref_squeeze %dma_wait3A_153 : memref<1x128xi32, #tpu.memory_space<vmem>> -> memref<128xi32, #tpu.memory_space<vmem>>
        %dma_wait3A_155 = arith.constant 0 : i32
        %dma_wait3A_156 = arith.constant 0 : i32
        %dma_wait3A_157 = tpu.memref_slice %arg12[%dma_wait3A_155, %dma_wait3A_156] : memref<10240x64xf32, #tpu.memory_space<vmem_shared>> -> memref<10240x64xf32, #tpu.memory_space<vmem_shared>>
        tpu.wait_indirect_dma semaphore(%run_scoped3A_145 : memref<!tpu.dma_semaphore, #tpu.memory_space<semaphore_mem>>) src(%arg11 : memref<128x64xf32, #tpu.memory_space<vmem>>) dst(%dma_wait3A_157 : memref<10240x64xf32, #tpu.memory_space<vmem_shared>>)
        tpu.yield
      }) : () -> ()
      %run_scoped3A_144 = arith.constant 1 : i32
      "tpu.region"() ({
        %run_scoped3A_145 = tpu.sem_alloc : memref<!tpu.dma_semaphore, #tpu.memory_space<semaphore_mem>>
        %dma_start3A_146 = arith.constant 0 : i32
        %dma_start3A_147 = tpu.memref_slice %arg9[%run_scoped3A_144, %dma_start3A_146] : memref<2x128xi32, #tpu.memory_space<vmem>> -> memref<1x128xi32, #tpu.memory_space<vmem>>
        %dma_start3A_148 = tpu.memref_squeeze %dma_start3A_147 : memref<1x128xi32, #tpu.memory_space<vmem>> -> memref<128xi32, #tpu.memory_space<vmem>>
        %dma_start3A_149 = arith.constant 0 : i32
        %dma_start3A_150 = tpu.memref_slice %arg16[%dma_start3A_149] : memref<10240xf32, #tpu.memory_space<vmem_shared>> -> memref<10240xf32, #tpu.memory_space<vmem_shared>>
        tpu.enqueue_indirect_dma source(%arg15 : memref<128xf32, #tpu.memory_space<vmem>>) target(%dma_start3A_150 : memref<10240xf32, #tpu.memory_space<vmem_shared>>) offsets(%dma_start3A_148 : memref<128xi32, #tpu.memory_space<vmem>>) semaphore(%run_scoped3A_145 : memref<!tpu.dma_semaphore, #tpu.memory_space<semaphore_mem>>) {add = true}
        %dma_wait3A_151 = arith.constant 0 : i32
        %dma_wait3A_152 = tpu.memref_slice %arg9[%run_scoped3A_144, %dma_wait3A_151] : memref<2x128xi32, #tpu.memory_space<vmem>> -> memref<1x128xi32, #tpu.memory_space<vmem>>
        %dma_wait3A_153 = tpu.memref_squeeze %dma_wait3A_152 : memref<1x128xi32, #tpu.memory_space<vmem>> -> memref<128xi32, #tpu.memory_space<vmem>>
        %dma_wait3A_154 = arith.constant 0 : i32
        %dma_wait3A_155 = tpu.memref_slice %arg16[%dma_wait3A_154] : memref<10240xf32, #tpu.memory_space<vmem_shared>> -> memref<10240xf32, #tpu.memory_space<vmem_shared>>
        tpu.wait_indirect_dma semaphore(%run_scoped3A_145 : memref<!tpu.dma_semaphore, #tpu.memory_space<semaphore_mem>>) src(%arg15 : memref<128xf32, #tpu.memory_space<vmem>>) dst(%dma_wait3A_155 : memref<10240xf32, #tpu.memory_space<vmem_shared>>)
        tpu.yield
      }) : () -> ()
    }
    %scan3A_64 = arith.constant 39 : i32
    %add3A_65 = arith.constant 2528 : i32
    %add3A_66 = arith.addi %add3A, %add3A_65 : i32
    "tpu.region"() ({
      %run_scoped3A_99 = tpu.sem_alloc : memref<!tpu.dma_semaphore, #tpu.memory_space<semaphore_mem>>
      %dma_start3A_100 = arith.constant 0 : i32
      %dma_start3A_101 = arith.constant 0 : i32
      %dma_start3A_102 = tpu.memref_slice %arg3[%add3A_66, %dma_start3A_100, %dma_start3A_101] : memref<2560x2x128xi32, #tpu.memory_space<hbm>> -> memref<1x2x128xi32, #tpu.memory_space<hbm>>
      %dma_start3A_103 = tpu.memref_squeeze %dma_start3A_102 : memref<1x2x128xi32, #tpu.memory_space<hbm>> -> memref<2x128xi32, #tpu.memory_space<hbm>>
      %dma_start3A_104 = arith.constant 0 : i32
      %dma_start3A_105 = arith.constant 0 : i32
      %dma_start3A_106 = tpu.memref_slice %arg3[%add3A_66, %dma_start3A_104, %dma_start3A_105] : memref<2560x2x128xi32, #tpu.memory_space<hbm>> -> memref<1x2x128xi32, #tpu.memory_space<hbm>>
      %dma_start3A_107 = tpu.memref_squeeze %dma_start3A_106 : memref<1x2x128xi32, #tpu.memory_space<hbm>> -> memref<2x128xi32, #tpu.memory_space<hbm>>
      tpu.enqueue_dma source(%dma_start3A_107 : memref<2x128xi32, #tpu.memory_space<hbm>>) target(%arg9 : memref<2x128xi32, #tpu.memory_space<vmem>>) target_semaphore(%run_scoped3A_99 : memref<!tpu.dma_semaphore, #tpu.memory_space<semaphore_mem>>)
      %dma_wait3A_108 = arith.constant 0 : i32
      %dma_wait3A_109 = arith.constant 0 : i32
      %dma_wait3A_110 = tpu.memref_slice %arg3[%add3A_66, %dma_wait3A_108, %dma_wait3A_109] : memref<2560x2x128xi32, #tpu.memory_space<hbm>> -> memref<1x2x128xi32, #tpu.memory_space<hbm>>
      %dma_wait3A_111 = tpu.memref_squeeze %dma_wait3A_110 : memref<1x2x128xi32, #tpu.memory_space<hbm>> -> memref<2x128xi32, #tpu.memory_space<hbm>>
      %dma_wait3A_112 = arith.constant 0 : i32
      %dma_wait3A_113 = arith.constant 0 : i32
      %dma_wait3A_114 = tpu.memref_slice %arg3[%add3A_66, %dma_wait3A_112, %dma_wait3A_113] : memref<2560x2x128xi32, #tpu.memory_space<hbm>> -> memref<1x2x128xi32, #tpu.memory_space<hbm>>
      %dma_wait3A_115 = tpu.memref_squeeze %dma_wait3A_114 : memref<1x2x128xi32, #tpu.memory_space<hbm>> -> memref<2x128xi32, #tpu.memory_space<hbm>>
      tpu.wait_dma2 semaphore(%run_scoped3A_99 : memref<!tpu.dma_semaphore, #tpu.memory_space<semaphore_mem>>) src(%dma_wait3A_115 : memref<2x128xi32, #tpu.memory_space<hbm>>) dst(%arg9 : memref<2x128xi32, #tpu.memory_space<vmem>>)
      tpu.yield
    }) : () -> ()
    %dma_start3A_67 = arith.constant 0 : i32
    %dma_start3A_68 = arith.constant 0 : i32
    %dma_start3A_69 = tpu.memref_slice %arg9[%dma_start3A_67, %dma_start3A_68] : memref<2x128xi32, #tpu.memory_space<vmem>> -> memref<1x128xi32, #tpu.memory_space<vmem>>
    %dma_start3A_70 = tpu.memref_squeeze %dma_start3A_69 : memref<1x128xi32, #tpu.memory_space<vmem>> -> memref<128xi32, #tpu.memory_space<vmem>>
    %dma_start3A_71 = arith.constant 0 : i32
    %dma_start3A_72 = arith.constant 0 : i32
    %dma_start3A_73 = tpu.memref_slice %arg2[%dma_start3A_71, %dma_start3A_72] : memref<10000x64xf32, #tpu.memory_space<hbm>> -> memref<10000x64xf32, #tpu.memory_space<hbm>>
    tpu.enqueue_indirect_dma source(%dma_start3A_73 : memref<10000x64xf32, #tpu.memory_space<hbm>>) target(%arg11 : memref<128x64xf32, #tpu.memory_space<vmem>>) offsets(%dma_start3A_70 : memref<128xi32, #tpu.memory_space<vmem>>) semaphore(%arg14 : memref<!tpu.dma_semaphore, #tpu.memory_space<semaphore_mem>>)
    %dma_wait3A = arith.constant 0 : i32
    %dma_wait3A_74 = arith.constant 0 : i32
    %dma_wait3A_75 = tpu.memref_slice %arg8[%dma_wait3A, %dma_wait3A_74] : memref<2x128xi32, #tpu.memory_space<vmem>> -> memref<1x128xi32, #tpu.memory_space<vmem>>
    %dma_wait3A_76 = tpu.memref_squeeze %dma_wait3A_75 : memref<1x128xi32, #tpu.memory_space<vmem>> -> memref<128xi32, #tpu.memory_space<vmem>>
    %dma_wait3A_77 = arith.constant 0 : i32
    %dma_wait3A_78 = arith.constant 0 : i32
    %dma_wait3A_79 = tpu.memref_slice %arg2[%dma_wait3A_77, %dma_wait3A_78] : memref<10000x64xf32, #tpu.memory_space<hbm>> -> memref<10000x64xf32, #tpu.memory_space<hbm>>
    tpu.wait_indirect_dma semaphore(%arg13 : memref<!tpu.dma_semaphore, #tpu.memory_space<semaphore_mem>>) src(%dma_wait3A_79 : memref<10000x64xf32, #tpu.memory_space<hbm>>) dst(%arg10 : memref<128x64xf32, #tpu.memory_space<vmem>>)
    %run_scoped3A = arith.constant 1 : i32
    "tpu.region"() ({
      %run_scoped3A_99 = tpu.sem_alloc : memref<!tpu.dma_semaphore, #tpu.memory_space<semaphore_mem>>
      %dma_start3A_100 = arith.constant 0 : i32
      %dma_start3A_101 = tpu.memref_slice %arg8[%run_scoped3A, %dma_start3A_100] : memref<2x128xi32, #tpu.memory_space<vmem>> -> memref<1x128xi32, #tpu.memory_space<vmem>>
      %dma_start3A_102 = tpu.memref_squeeze %dma_start3A_101 : memref<1x128xi32, #tpu.memory_space<vmem>> -> memref<128xi32, #tpu.memory_space<vmem>>
      %dma_start3A_103 = arith.constant 0 : i32
      %dma_start3A_104 = arith.constant 0 : i32
      %dma_start3A_105 = tpu.memref_slice %arg12[%dma_start3A_103, %dma_start3A_104] : memref<10240x64xf32, #tpu.memory_space<vmem_shared>> -> memref<10240x64xf32, #tpu.memory_space<vmem_shared>>
      tpu.enqueue_indirect_dma source(%arg10 : memref<128x64xf32, #tpu.memory_space<vmem>>) target(%dma_start3A_105 : memref<10240x64xf32, #tpu.memory_space<vmem_shared>>) offsets(%dma_start3A_102 : memref<128xi32, #tpu.memory_space<vmem>>) semaphore(%run_scoped3A_99 : memref<!tpu.dma_semaphore, #tpu.memory_space<semaphore_mem>>) {add = true}
      %dma_wait3A_106 = arith.constant 0 : i32
      %dma_wait3A_107 = tpu.memref_slice %arg8[%run_scoped3A, %dma_wait3A_106] : memref<2x128xi32, #tpu.memory_space<vmem>> -> memref<1x128xi32, #tpu.memory_space<vmem>>
      %dma_wait3A_108 = tpu.memref_squeeze %dma_wait3A_107 : memref<1x128xi32, #tpu.memory_space<vmem>> -> memref<128xi32, #tpu.memory_space<vmem>>
      %dma_wait3A_109 = arith.constant 0 : i32
      %dma_wait3A_110 = arith.constant 0 : i32
      %dma_wait3A_111 = tpu.memref_slice %arg12[%dma_wait3A_109, %dma_wait3A_110] : memref<10240x64xf32, #tpu.memory_space<vmem_shared>> -> memref<10240x64xf32, #tpu.memory_space<vmem_shared>>
      tpu.wait_indirect_dma semaphore(%run_scoped3A_99 : memref<!tpu.dma_semaphore, #tpu.memory_space<semaphore_mem>>) src(%arg10 : memref<128x64xf32, #tpu.memory_space<vmem>>) dst(%dma_wait3A_111 : memref<10240x64xf32, #tpu.memory_space<vmem_shared>>)
      tpu.yield
    }) : () -> ()
    %run_scoped3A_80 = arith.constant 1 : i32
    "tpu.region"() ({
      %run_scoped3A_99 = tpu.sem_alloc : memref<!tpu.dma_semaphore, #tpu.memory_space<semaphore_mem>>
      %dma_start3A_100 = arith.constant 0 : i32
      %dma_start3A_101 = tpu.memref_slice %arg8[%run_scoped3A_80, %dma_start3A_100] : memref<2x128xi32, #tpu.memory_space<vmem>> -> memref<1x128xi32, #tpu.memory_space<vmem>>
      %dma_start3A_102 = tpu.memref_squeeze %dma_start3A_101 : memref<1x128xi32, #tpu.memory_space<vmem>> -> memref<128xi32, #tpu.memory_space<vmem>>
      %dma_start3A_103 = arith.constant 0 : i32
      %dma_start3A_104 = tpu.memref_slice %arg16[%dma_start3A_103] : memref<10240xf32, #tpu.memory_space<vmem_shared>> -> memref<10240xf32, #tpu.memory_space<vmem_shared>>
      tpu.enqueue_indirect_dma source(%arg15 : memref<128xf32, #tpu.memory_space<vmem>>) target(%dma_start3A_104 : memref<10240xf32, #tpu.memory_space<vmem_shared>>) offsets(%dma_start3A_102 : memref<128xi32, #tpu.memory_space<vmem>>) semaphore(%run_scoped3A_99 : memref<!tpu.dma_semaphore, #tpu.memory_space<semaphore_mem>>) {add = true}
      %dma_wait3A_105 = arith.constant 0 : i32
      %dma_wait3A_106 = tpu.memref_slice %arg8[%run_scoped3A_80, %dma_wait3A_105] : memref<2x128xi32, #tpu.memory_space<vmem>> -> memref<1x128xi32, #tpu.memory_space<vmem>>
      %dma_wait3A_107 = tpu.memref_squeeze %dma_wait3A_106 : memref<1x128xi32, #tpu.memory_space<vmem>> -> memref<128xi32, #tpu.memory_space<vmem>>
      %dma_wait3A_108 = arith.constant 0 : i32
      %dma_wait3A_109 = tpu.memref_slice %arg16[%dma_wait3A_108] : memref<10240xf32, #tpu.memory_space<vmem_shared>> -> memref<10240xf32, #tpu.memory_space<vmem_shared>>
      tpu.wait_indirect_dma semaphore(%run_scoped3A_99 : memref<!tpu.dma_semaphore, #tpu.memory_space<semaphore_mem>>) src(%arg15 : memref<128xf32, #tpu.memory_space<vmem>>) dst(%dma_wait3A_109 : memref<10240xf32, #tpu.memory_space<vmem_shared>>)
      tpu.yield
    }) : () -> ()
    %dma_wait3A_81 = arith.constant 0 : i32
    %dma_wait3A_82 = arith.constant 0 : i32
    %dma_wait3A_83 = tpu.memref_slice %arg9[%dma_wait3A_81, %dma_wait3A_82] : memref<2x128xi32, #tpu.memory_space<vmem>> -> memref<1x128xi32, #tpu.memory_space<vmem>>
    %dma_wait3A_84 = tpu.memref_squeeze %dma_wait3A_83 : memref<1x128xi32, #tpu.memory_space<vmem>> -> memref<128xi32, #tpu.memory_space<vmem>>
    %dma_wait3A_85 = arith.constant 0 : i32
    %dma_wait3A_86 = arith.constant 0 : i32
    %dma_wait3A_87 = tpu.memref_slice %arg2[%dma_wait3A_85, %dma_wait3A_86] : memref<10000x64xf32, #tpu.memory_space<hbm>> -> memref<10000x64xf32, #tpu.memory_space<hbm>>
    tpu.wait_indirect_dma semaphore(%arg14 : memref<!tpu.dma_semaphore, #tpu.memory_space<semaphore_mem>>) src(%dma_wait3A_87 : memref<10000x64xf32, #tpu.memory_space<hbm>>) dst(%arg11 : memref<128x64xf32, #tpu.memory_space<vmem>>)
    %run_scoped3A_88 = arith.constant 1 : i32
    "tpu.region"() ({
      %run_scoped3A_99 = tpu.sem_alloc : memref<!tpu.dma_semaphore, #tpu.memory_space<semaphore_mem>>
      %dma_start3A_100 = arith.constant 0 : i32
      %dma_start3A_101 = tpu.memref_slice %arg9[%run_scoped3A_88, %dma_start3A_100] : memref<2x128xi32, #tpu.memory_space<vmem>> -> memref<1x128xi32, #tpu.memory_space<vmem>>
      %dma_start3A_102 = tpu.memref_squeeze %dma_start3A_101 : memref<1x128xi32, #tpu.memory_space<vmem>> -> memref<128xi32, #tpu.memory_space<vmem>>
      %dma_start3A_103 = arith.constant 0 : i32
      %dma_start3A_104 = arith.constant 0 : i32
      %dma_start3A_105 = tpu.memref_slice %arg12[%dma_start3A_103, %dma_start3A_104] : memref<10240x64xf32, #tpu.memory_space<vmem_shared>> -> memref<10240x64xf32, #tpu.memory_space<vmem_shared>>
      tpu.enqueue_indirect_dma source(%arg11 : memref<128x64xf32, #tpu.memory_space<vmem>>) target(%dma_start3A_105 : memref<10240x64xf32, #tpu.memory_space<vmem_shared>>) offsets(%dma_start3A_102 : memref<128xi32, #tpu.memory_space<vmem>>) semaphore(%run_scoped3A_99 : memref<!tpu.dma_semaphore, #tpu.memory_space<semaphore_mem>>) {add = true}
      %dma_wait3A_106 = arith.constant 0 : i32
      %dma_wait3A_107 = tpu.memref_slice %arg9[%run_scoped3A_88, %dma_wait3A_106] : memref<2x128xi32, #tpu.memory_space<vmem>> -> memref<1x128xi32, #tpu.memory_space<vmem>>
      %dma_wait3A_108 = tpu.memref_squeeze %dma_wait3A_107 : memref<1x128xi32, #tpu.memory_space<vmem>> -> memref<128xi32, #tpu.memory_space<vmem>>
      %dma_wait3A_109 = arith.constant 0 : i32
      %dma_wait3A_110 = arith.constant 0 : i32
      %dma_wait3A_111 = tpu.memref_slice %arg12[%dma_wait3A_109, %dma_wait3A_110] : memref<10240x64xf32, #tpu.memory_space<vmem_shared>> -> memref<10240x64xf32, #tpu.memory_space<vmem_shared>>
      tpu.wait_indirect_dma semaphore(%run_scoped3A_99 : memref<!tpu.dma_semaphore, #tpu.memory_space<semaphore_mem>>) src(%arg11 : memref<128x64xf32, #tpu.memory_space<vmem>>) dst(%dma_wait3A_111 : memref<10240x64xf32, #tpu.memory_space<vmem_shared>>)
      tpu.yield
    }) : () -> ()
    %run_scoped3A_89 = arith.constant 1 : i32
    "tpu.region"() ({
      %run_scoped3A_99 = tpu.sem_alloc : memref<!tpu.dma_semaphore, #tpu.memory_space<semaphore_mem>>
      %dma_start3A_100 = arith.constant 0 : i32
      %dma_start3A_101 = tpu.memref_slice %arg9[%run_scoped3A_89, %dma_start3A_100] : memref<2x128xi32, #tpu.memory_space<vmem>> -> memref<1x128xi32, #tpu.memory_space<vmem>>
      %dma_start3A_102 = tpu.memref_squeeze %dma_start3A_101 : memref<1x128xi32, #tpu.memory_space<vmem>> -> memref<128xi32, #tpu.memory_space<vmem>>
      %dma_start3A_103 = arith.constant 0 : i32
      %dma_start3A_104 = tpu.memref_slice %arg16[%dma_start3A_103] : memref<10240xf32, #tpu.memory_space<vmem_shared>> -> memref<10240xf32, #tpu.memory_space<vmem_shared>>
      tpu.enqueue_indirect_dma source(%arg15 : memref<128xf32, #tpu.memory_space<vmem>>) target(%dma_start3A_104 : memref<10240xf32, #tpu.memory_space<vmem_shared>>) offsets(%dma_start3A_102 : memref<128xi32, #tpu.memory_space<vmem>>) semaphore(%run_scoped3A_99 : memref<!tpu.dma_semaphore, #tpu.memory_space<semaphore_mem>>) {add = true}
      %dma_wait3A_105 = arith.constant 0 : i32
      %dma_wait3A_106 = tpu.memref_slice %arg9[%run_scoped3A_89, %dma_wait3A_105] : memref<2x128xi32, #tpu.memory_space<vmem>> -> memref<1x128xi32, #tpu.memory_space<vmem>>
      %dma_wait3A_107 = tpu.memref_squeeze %dma_wait3A_106 : memref<1x128xi32, #tpu.memory_space<vmem>> -> memref<128xi32, #tpu.memory_space<vmem>>
      %dma_wait3A_108 = arith.constant 0 : i32
      %dma_wait3A_109 = tpu.memref_slice %arg16[%dma_wait3A_108] : memref<10240xf32, #tpu.memory_space<vmem_shared>> -> memref<10240xf32, #tpu.memory_space<vmem_shared>>
      tpu.wait_indirect_dma semaphore(%run_scoped3A_99 : memref<!tpu.dma_semaphore, #tpu.memory_space<semaphore_mem>>) src(%arg15 : memref<128xf32, #tpu.memory_space<vmem>>) dst(%dma_wait3A_109 : memref<10240xf32, #tpu.memory_space<vmem_shared>>)
      tpu.yield
    }) : () -> ()
    %barrier3A_90 = arith.constant 0 : index
    tpu.barrier barrier_id(%barrier3A_90)
    %mul3A_91 = arith.constant 640 : i32
    %mul3A_92 = arith.muli %arg1, %mul3A_91 : i32
    %mul3A_93 = arith.constant 640 : i32
    %mul3A_94 = arith.muli %arg1, %mul3A_93 : i32
    "tpu.region"() ({
      %run_scoped3A_99 = tpu.sem_alloc : memref<!tpu.dma_semaphore, #tpu.memory_space<semaphore_mem>>
      %dma_start3A_100 = arith.constant 0 : i32
      %dma_start3A_101 = tpu.memref_slice %arg6[%arg0, %mul3A_94, %dma_start3A_100] : memref<2x10240x64xf32, #tpu.memory_space<hbm>> -> memref<1x640x64xf32, #tpu.memory_space<hbm>>
      %dma_start3A_102 = tpu.memref_squeeze %dma_start3A_101 : memref<1x640x64xf32, #tpu.memory_space<hbm>> -> memref<640x64xf32, #tpu.memory_space<hbm>>
      %dma_start3A_103 = arith.constant 0 : i32
      %dma_start3A_104 = tpu.memref_slice %arg12[%mul3A_92, %dma_start3A_103] : memref<10240x64xf32, #tpu.memory_space<vmem_shared>> -> memref<640x64xf32, #tpu.memory_space<vmem_shared>>
      tpu.enqueue_dma source(%dma_start3A_104 : memref<640x64xf32, #tpu.memory_space<vmem_shared>>) target(%dma_start3A_102 : memref<640x64xf32, #tpu.memory_space<hbm>>) target_semaphore(%run_scoped3A_99 : memref<!tpu.dma_semaphore, #tpu.memory_space<semaphore_mem>>)
      %dma_wait3A_105 = arith.constant 0 : i32
      %dma_wait3A_106 = tpu.memref_slice %arg6[%arg0, %mul3A_94, %dma_wait3A_105] : memref<2x10240x64xf32, #tpu.memory_space<hbm>> -> memref<1x640x64xf32, #tpu.memory_space<hbm>>
      %dma_wait3A_107 = tpu.memref_squeeze %dma_wait3A_106 : memref<1x640x64xf32, #tpu.memory_space<hbm>> -> memref<640x64xf32, #tpu.memory_space<hbm>>
      %dma_wait3A_108 = arith.constant 0 : i32
      %dma_wait3A_109 = tpu.memref_slice %arg12[%mul3A_92, %dma_wait3A_108] : memref<10240x64xf32, #tpu.memory_space<vmem_shared>> -> memref<640x64xf32, #tpu.memory_space<vmem_shared>>
      tpu.wait_dma2 semaphore(%run_scoped3A_99 : memref<!tpu.dma_semaphore, #tpu.memory_space<semaphore_mem>>) src(%dma_wait3A_109 : memref<640x64xf32, #tpu.memory_space<vmem_shared>>) dst(%dma_wait3A_107 : memref<640x64xf32, #tpu.memory_space<hbm>>)
      tpu.yield
    }) : () -> ()
    %mul3A_95 = arith.constant 640 : i32
    %mul3A_96 = arith.muli %arg1, %mul3A_95 : i32
    %mul3A_97 = arith.constant 640 : i32
    %mul3A_98 = arith.muli %arg1, %mul3A_97 : i32
    "tpu.region"() ({
      %run_scoped3A_99 = tpu.sem_alloc : memref<!tpu.dma_semaphore, #tpu.memory_space<semaphore_mem>>
      %dma_start3A_100 = tpu.memref_slice %arg7[%arg0, %mul3A_98] : memref<2x10240xf32, #tpu.memory_space<hbm>> -> memref<1x640xf32, #tpu.memory_space<hbm>>
      %dma_start3A_101 = tpu.memref_squeeze %dma_start3A_100 : memref<1x640xf32, #tpu.memory_space<hbm>> -> memref<640xf32, #tpu.memory_space<hbm>>
      %dma_start3A_102 = tpu.memref_slice %arg16[%mul3A_96] : memref<10240xf32, #tpu.memory_space<vmem_shared>> -> memref<640xf32, #tpu.memory_space<vmem_shared>>
      tpu.enqueue_dma source(%dma_start3A_102 : memref<640xf32, #tpu.memory_space<vmem_shared>>) target(%dma_start3A_101 : memref<640xf32, #tpu.memory_space<hbm>>) target_semaphore(%run_scoped3A_99 : memref<!tpu.dma_semaphore, #tpu.memory_space<semaphore_mem>>)
      %dma_wait3A_103 = tpu.memref_slice %arg7[%arg0, %mul3A_98] : memref<2x10240xf32, #tpu.memory_space<hbm>> -> memref<1x640xf32, #tpu.memory_space<hbm>>
      %dma_wait3A_104 = tpu.memref_squeeze %dma_wait3A_103 : memref<1x640xf32, #tpu.memory_space<hbm>> -> memref<640xf32, #tpu.memory_space<hbm>>
      %dma_wait3A_105 = tpu.memref_slice %arg16[%mul3A_96] : memref<10240xf32, #tpu.memory_space<vmem_shared>> -> memref<640xf32, #tpu.memory_space<vmem_shared>>
      tpu.wait_dma2 semaphore(%run_scoped3A_99 : memref<!tpu.dma_semaphore, #tpu.memory_space<semaphore_mem>>) src(%dma_wait3A_105 : memref<640xf32, #tpu.memory_space<vmem_shared>>) dst(%dma_wait3A_104 : memref<640xf32, #tpu.memory_space<hbm>>)
      tpu.yield
    }) : () -> ()
    return
  }
}

#map = affine_map<(d0, d1) -> (0, 0)>
#map1 = affine_map<(d0, d1) -> (0, 0, 0)>
module attributes {stable_mosaic.version = 14 : i64} {
  func.func @body(%arg0: i32, %arg1: i32, %arg2: memref<10000x32xf32, #tpu.memory_space<hbm>>, %arg3: memref<2560x2x128xi32, #tpu.memory_space<hbm>>, %arg4: memref<10240x32xf32, #tpu.memory_space<hbm>>, %arg5: memref<2x10240x32xf32, #tpu.memory_space<hbm>>, %arg6: memref<2x128xi32, #tpu.memory_space<vmem>>, %arg7: memref<2x128xi32, #tpu.memory_space<vmem>>, %arg8: memref<128x32xf32, #tpu.memory_space<vmem>>, %arg9: memref<128x32xf32, #tpu.memory_space<vmem>>, %arg10: memref<10240x32xf32, #tpu.memory_space<vmem_shared>>, %arg11: memref<!tpu.dma_semaphore, #tpu.memory_space<semaphore_mem>>, %arg12: memref<!tpu.dma_semaphore, #tpu.memory_space<semaphore_mem>>) attributes {dimension_semantics = [#tpu.dimension_semantics<core_parallel>, #tpu.dimension_semantics<subcore_parallel>], iteration_bounds = array<i64: 2, 16>, scalar_prefetch = 0 : i64, scratch_operands = 7 : i64, tpu.core_type = #tpu.core_type<sc_vector_subcore>, window_params = [{transform_indices = #map}, {transform_indices = #map1}, {transform_indices = #map}, {transform_indices = #map1}]} {
    %mul3A = arith.constant 2 : i32
    %mul3A_0 = arith.muli %arg1, %mul3A : i32
    %add3A = arith.addi %mul3A_0, %arg0 : i32
    %mul3A_1 = arith.constant 640 : i32
    %mul3A_2 = arith.muli %arg1, %mul3A_1 : i32
    %mul3A_3 = arith.constant 640 : i32
    %mul3A_4 = arith.muli %arg1, %mul3A_3 : i32
    "tpu.region"() ({
      %run_scoped3A_43 = tpu.sem_alloc : memref<!tpu.dma_semaphore, #tpu.memory_space<semaphore_mem>>
      %dma_start3A_44 = arith.constant 0 : i32
      %dma_start3A_45 = tpu.memref_slice %arg10[%mul3A_4, %dma_start3A_44] : memref<10240x32xf32, #tpu.memory_space<vmem_shared>> -> memref<640x32xf32, #tpu.memory_space<vmem_shared>>
      %dma_start3A_46 = arith.constant 0 : i32
      %dma_start3A_47 = tpu.memref_slice %arg4[%mul3A_2, %dma_start3A_46] : memref<10240x32xf32, #tpu.memory_space<hbm>> -> memref<640x32xf32, #tpu.memory_space<hbm>>
      tpu.enqueue_dma source(%dma_start3A_47 : memref<640x32xf32, #tpu.memory_space<hbm>>) target(%dma_start3A_45 : memref<640x32xf32, #tpu.memory_space<vmem_shared>>) target_semaphore(%run_scoped3A_43 : memref<!tpu.dma_semaphore, #tpu.memory_space<semaphore_mem>>)
      %dma_wait3A_48 = arith.constant 0 : i32
      %dma_wait3A_49 = tpu.memref_slice %arg10[%mul3A_4, %dma_wait3A_48] : memref<10240x32xf32, #tpu.memory_space<vmem_shared>> -> memref<640x32xf32, #tpu.memory_space<vmem_shared>>
      %dma_wait3A_50 = arith.constant 0 : i32
      %dma_wait3A_51 = tpu.memref_slice %arg4[%mul3A_2, %dma_wait3A_50] : memref<10240x32xf32, #tpu.memory_space<hbm>> -> memref<640x32xf32, #tpu.memory_space<hbm>>
      tpu.wait_dma2 semaphore(%run_scoped3A_43 : memref<!tpu.dma_semaphore, #tpu.memory_space<semaphore_mem>>) src(%dma_wait3A_51 : memref<640x32xf32, #tpu.memory_space<hbm>>) dst(%dma_wait3A_49 : memref<640x32xf32, #tpu.memory_space<vmem_shared>>)
      tpu.yield
    }) : () -> ()
    %barrier3A = arith.constant 0 : index
    tpu.barrier barrier_id(%barrier3A)
    "tpu.region"() ({
      %run_scoped3A_43 = tpu.sem_alloc : memref<!tpu.dma_semaphore, #tpu.memory_space<semaphore_mem>>
      %dma_start3A_44 = arith.constant 0 : i32
      %dma_start3A_45 = arith.constant 0 : i32
      %dma_start3A_46 = tpu.memref_slice %arg3[%add3A, %dma_start3A_44, %dma_start3A_45] : memref<2560x2x128xi32, #tpu.memory_space<hbm>> -> memref<1x2x128xi32, #tpu.memory_space<hbm>>
      %dma_start3A_47 = tpu.memref_squeeze %dma_start3A_46 : memref<1x2x128xi32, #tpu.memory_space<hbm>> -> memref<2x128xi32, #tpu.memory_space<hbm>>
      %dma_start3A_48 = arith.constant 0 : i32
      %dma_start3A_49 = arith.constant 0 : i32
      %dma_start3A_50 = tpu.memref_slice %arg3[%add3A, %dma_start3A_48, %dma_start3A_49] : memref<2560x2x128xi32, #tpu.memory_space<hbm>> -> memref<1x2x128xi32, #tpu.memory_space<hbm>>
      %dma_start3A_51 = tpu.memref_squeeze %dma_start3A_50 : memref<1x2x128xi32, #tpu.memory_space<hbm>> -> memref<2x128xi32, #tpu.memory_space<hbm>>
      tpu.enqueue_dma source(%dma_start3A_51 : memref<2x128xi32, #tpu.memory_space<hbm>>) target(%arg6 : memref<2x128xi32, #tpu.memory_space<vmem>>) target_semaphore(%run_scoped3A_43 : memref<!tpu.dma_semaphore, #tpu.memory_space<semaphore_mem>>)
      %dma_wait3A_52 = arith.constant 0 : i32
      %dma_wait3A_53 = arith.constant 0 : i32
      %dma_wait3A_54 = tpu.memref_slice %arg3[%add3A, %dma_wait3A_52, %dma_wait3A_53] : memref<2560x2x128xi32, #tpu.memory_space<hbm>> -> memref<1x2x128xi32, #tpu.memory_space<hbm>>
      %dma_wait3A_55 = tpu.memref_squeeze %dma_wait3A_54 : memref<1x2x128xi32, #tpu.memory_space<hbm>> -> memref<2x128xi32, #tpu.memory_space<hbm>>
      %dma_wait3A_56 = arith.constant 0 : i32
      %dma_wait3A_57 = arith.constant 0 : i32
      %dma_wait3A_58 = tpu.memref_slice %arg3[%add3A, %dma_wait3A_56, %dma_wait3A_57] : memref<2560x2x128xi32, #tpu.memory_space<hbm>> -> memref<1x2x128xi32, #tpu.memory_space<hbm>>
      %dma_wait3A_59 = tpu.memref_squeeze %dma_wait3A_58 : memref<1x2x128xi32, #tpu.memory_space<hbm>> -> memref<2x128xi32, #tpu.memory_space<hbm>>
      tpu.wait_dma2 semaphore(%run_scoped3A_43 : memref<!tpu.dma_semaphore, #tpu.memory_space<semaphore_mem>>) src(%dma_wait3A_59 : memref<2x128xi32, #tpu.memory_space<hbm>>) dst(%arg6 : memref<2x128xi32, #tpu.memory_space<vmem>>)
      tpu.yield
    }) : () -> ()
    %dma_start3A = arith.constant 0 : i32
    %dma_start3A_5 = arith.constant 0 : i32
    %dma_start3A_6 = tpu.memref_slice %arg6[%dma_start3A, %dma_start3A_5] : memref<2x128xi32, #tpu.memory_space<vmem>> -> memref<1x128xi32, #tpu.memory_space<vmem>>
    %dma_start3A_7 = tpu.memref_squeeze %dma_start3A_6 : memref<1x128xi32, #tpu.memory_space<vmem>> -> memref<128xi32, #tpu.memory_space<vmem>>
    %dma_start3A_8 = arith.constant 0 : i32
    %dma_start3A_9 = arith.constant 0 : i32
    %dma_start3A_10 = tpu.memref_slice %arg2[%dma_start3A_8, %dma_start3A_9] : memref<10000x32xf32, #tpu.memory_space<hbm>> -> memref<10000x32xf32, #tpu.memory_space<hbm>>
    tpu.enqueue_indirect_dma source(%dma_start3A_10 : memref<10000x32xf32, #tpu.memory_space<hbm>>) target(%arg8 : memref<128x32xf32, #tpu.memory_space<vmem>>) offsets(%dma_start3A_7 : memref<128xi32, #tpu.memory_space<vmem>>) semaphore(%arg11 : memref<!tpu.dma_semaphore, #tpu.memory_space<semaphore_mem>>)
    %scan3A = arith.constant 0 : i32
    %scan3A_11 = arith.constant 39 : i32
    %scan3A_12 = arith.addi %scan3A, %scan3A_11 : i32
    %scan3A_13 = arith.constant 1 : i32
    scf.for %scan3A_43 = %scan3A to %scan3A_12 step %scan3A_13  : i32 {
      %mul3A_44 = arith.constant 1 : i32
      %mul3A_45 = arith.muli %scan3A_43, %mul3A_44 : i32
      %add3A_46 = arith.constant 0 : i32
      %add3A_47 = arith.addi %add3A_46, %mul3A_45 : i32
      %mul3A_48 = arith.constant 2 : i32
      %mul3A_49 = arith.muli %mul3A_48, %add3A_47 : i32
      %mul3A_50 = arith.constant 32 : i32
      %mul3A_51 = arith.muli %mul3A_49, %mul3A_50 : i32
      %add3A_52 = arith.addi %add3A, %mul3A_51 : i32
      %add3A_53 = arith.constant 32 : i32
      %add3A_54 = arith.addi %add3A_52, %add3A_53 : i32
      "tpu.region"() ({
        %run_scoped3A_87 = tpu.sem_alloc : memref<!tpu.dma_semaphore, #tpu.memory_space<semaphore_mem>>
        %dma_start3A_88 = arith.constant 0 : i32
        %dma_start3A_89 = arith.constant 0 : i32
        %dma_start3A_90 = tpu.memref_slice %arg3[%add3A_54, %dma_start3A_88, %dma_start3A_89] : memref<2560x2x128xi32, #tpu.memory_space<hbm>> -> memref<1x2x128xi32, #tpu.memory_space<hbm>>
        %dma_start3A_91 = tpu.memref_squeeze %dma_start3A_90 : memref<1x2x128xi32, #tpu.memory_space<hbm>> -> memref<2x128xi32, #tpu.memory_space<hbm>>
        %dma_start3A_92 = arith.constant 0 : i32
        %dma_start3A_93 = arith.constant 0 : i32
        %dma_start3A_94 = tpu.memref_slice %arg3[%add3A_54, %dma_start3A_92, %dma_start3A_93] : memref<2560x2x128xi32, #tpu.memory_space<hbm>> -> memref<1x2x128xi32, #tpu.memory_space<hbm>>
        %dma_start3A_95 = tpu.memref_squeeze %dma_start3A_94 : memref<1x2x128xi32, #tpu.memory_space<hbm>> -> memref<2x128xi32, #tpu.memory_space<hbm>>
        tpu.enqueue_dma source(%dma_start3A_95 : memref<2x128xi32, #tpu.memory_space<hbm>>) target(%arg7 : memref<2x128xi32, #tpu.memory_space<vmem>>) target_semaphore(%run_scoped3A_87 : memref<!tpu.dma_semaphore, #tpu.memory_space<semaphore_mem>>)
        %dma_wait3A_96 = arith.constant 0 : i32
        %dma_wait3A_97 = arith.constant 0 : i32
        %dma_wait3A_98 = tpu.memref_slice %arg3[%add3A_54, %dma_wait3A_96, %dma_wait3A_97] : memref<2560x2x128xi32, #tpu.memory_space<hbm>> -> memref<1x2x128xi32, #tpu.memory_space<hbm>>
        %dma_wait3A_99 = tpu.memref_squeeze %dma_wait3A_98 : memref<1x2x128xi32, #tpu.memory_space<hbm>> -> memref<2x128xi32, #tpu.memory_space<hbm>>
        %dma_wait3A_100 = arith.constant 0 : i32
        %dma_wait3A_101 = arith.constant 0 : i32
        %dma_wait3A_102 = tpu.memref_slice %arg3[%add3A_54, %dma_wait3A_100, %dma_wait3A_101] : memref<2560x2x128xi32, #tpu.memory_space<hbm>> -> memref<1x2x128xi32, #tpu.memory_space<hbm>>
        %dma_wait3A_103 = tpu.memref_squeeze %dma_wait3A_102 : memref<1x2x128xi32, #tpu.memory_space<hbm>> -> memref<2x128xi32, #tpu.memory_space<hbm>>
        tpu.wait_dma2 semaphore(%run_scoped3A_87 : memref<!tpu.dma_semaphore, #tpu.memory_space<semaphore_mem>>) src(%dma_wait3A_103 : memref<2x128xi32, #tpu.memory_space<hbm>>) dst(%arg7 : memref<2x128xi32, #tpu.memory_space<vmem>>)
        tpu.yield
      }) : () -> ()
      %dma_start3A_55 = arith.constant 0 : i32
      %dma_start3A_56 = arith.constant 0 : i32
      %dma_start3A_57 = tpu.memref_slice %arg7[%dma_start3A_55, %dma_start3A_56] : memref<2x128xi32, #tpu.memory_space<vmem>> -> memref<1x128xi32, #tpu.memory_space<vmem>>
      %dma_start3A_58 = tpu.memref_squeeze %dma_start3A_57 : memref<1x128xi32, #tpu.memory_space<vmem>> -> memref<128xi32, #tpu.memory_space<vmem>>
      %dma_start3A_59 = arith.constant 0 : i32
      %dma_start3A_60 = arith.constant 0 : i32
      %dma_start3A_61 = tpu.memref_slice %arg2[%dma_start3A_59, %dma_start3A_60] : memref<10000x32xf32, #tpu.memory_space<hbm>> -> memref<10000x32xf32, #tpu.memory_space<hbm>>
      tpu.enqueue_indirect_dma source(%dma_start3A_61 : memref<10000x32xf32, #tpu.memory_space<hbm>>) target(%arg9 : memref<128x32xf32, #tpu.memory_space<vmem>>) offsets(%dma_start3A_58 : memref<128xi32, #tpu.memory_space<vmem>>) semaphore(%arg12 : memref<!tpu.dma_semaphore, #tpu.memory_space<semaphore_mem>>)
      %dma_wait3A_62 = arith.constant 0 : i32
      %dma_wait3A_63 = arith.constant 0 : i32
      %dma_wait3A_64 = tpu.memref_slice %arg6[%dma_wait3A_62, %dma_wait3A_63] : memref<2x128xi32, #tpu.memory_space<vmem>> -> memref<1x128xi32, #tpu.memory_space<vmem>>
      %dma_wait3A_65 = tpu.memref_squeeze %dma_wait3A_64 : memref<1x128xi32, #tpu.memory_space<vmem>> -> memref<128xi32, #tpu.memory_space<vmem>>
      %dma_wait3A_66 = arith.constant 0 : i32
      %dma_wait3A_67 = arith.constant 0 : i32
      %dma_wait3A_68 = tpu.memref_slice %arg2[%dma_wait3A_66, %dma_wait3A_67] : memref<10000x32xf32, #tpu.memory_space<hbm>> -> memref<10000x32xf32, #tpu.memory_space<hbm>>
      tpu.wait_indirect_dma semaphore(%arg11 : memref<!tpu.dma_semaphore, #tpu.memory_space<semaphore_mem>>) src(%dma_wait3A_68 : memref<10000x32xf32, #tpu.memory_space<hbm>>) dst(%arg8 : memref<128x32xf32, #tpu.memory_space<vmem>>)
      %run_scoped3A_69 = arith.constant 1 : i32
      "tpu.region"() ({
        %run_scoped3A_87 = tpu.sem_alloc : memref<!tpu.dma_semaphore, #tpu.memory_space<semaphore_mem>>
        %dma_start3A_88 = arith.constant 0 : i32
        %dma_start3A_89 = tpu.memref_slice %arg6[%run_scoped3A_69, %dma_start3A_88] : memref<2x128xi32, #tpu.memory_space<vmem>> -> memref<1x128xi32, #tpu.memory_space<vmem>>
        %dma_start3A_90 = tpu.memref_squeeze %dma_start3A_89 : memref<1x128xi32, #tpu.memory_space<vmem>> -> memref<128xi32, #tpu.memory_space<vmem>>
        %dma_start3A_91 = arith.constant 0 : i32
        %dma_start3A_92 = arith.constant 0 : i32
        %dma_start3A_93 = tpu.memref_slice %arg10[%dma_start3A_91, %dma_start3A_92] : memref<10240x32xf32, #tpu.memory_space<vmem_shared>> -> memref<10240x32xf32, #tpu.memory_space<vmem_shared>>
        tpu.enqueue_indirect_dma source(%arg8 : memref<128x32xf32, #tpu.memory_space<vmem>>) target(%dma_start3A_93 : memref<10240x32xf32, #tpu.memory_space<vmem_shared>>) offsets(%dma_start3A_90 : memref<128xi32, #tpu.memory_space<vmem>>) semaphore(%run_scoped3A_87 : memref<!tpu.dma_semaphore, #tpu.memory_space<semaphore_mem>>) {add = true}
        %dma_wait3A_94 = arith.constant 0 : i32
        %dma_wait3A_95 = tpu.memref_slice %arg6[%run_scoped3A_69, %dma_wait3A_94] : memref<2x128xi32, #tpu.memory_space<vmem>> -> memref<1x128xi32, #tpu.memory_space<vmem>>
        %dma_wait3A_96 = tpu.memref_squeeze %dma_wait3A_95 : memref<1x128xi32, #tpu.memory_space<vmem>> -> memref<128xi32, #tpu.memory_space<vmem>>
        %dma_wait3A_97 = arith.constant 0 : i32
        %dma_wait3A_98 = arith.constant 0 : i32
        %dma_wait3A_99 = tpu.memref_slice %arg10[%dma_wait3A_97, %dma_wait3A_98] : memref<10240x32xf32, #tpu.memory_space<vmem_shared>> -> memref<10240x32xf32, #tpu.memory_space<vmem_shared>>
        tpu.wait_indirect_dma semaphore(%run_scoped3A_87 : memref<!tpu.dma_semaphore, #tpu.memory_space<semaphore_mem>>) src(%arg8 : memref<128x32xf32, #tpu.memory_space<vmem>>) dst(%dma_wait3A_99 : memref<10240x32xf32, #tpu.memory_space<vmem_shared>>)
        tpu.yield
      }) : () -> ()
      %add3A_70 = arith.constant 64 : i32
      %add3A_71 = arith.addi %add3A_52, %add3A_70 : i32
      "tpu.region"() ({
        %run_scoped3A_87 = tpu.sem_alloc : memref<!tpu.dma_semaphore, #tpu.memory_space<semaphore_mem>>
        %dma_start3A_88 = arith.constant 0 : i32
        %dma_start3A_89 = arith.constant 0 : i32
        %dma_start3A_90 = tpu.memref_slice %arg3[%add3A_71, %dma_start3A_88, %dma_start3A_89] : memref<2560x2x128xi32, #tpu.memory_space<hbm>> -> memref<1x2x128xi32, #tpu.memory_space<hbm>>
        %dma_start3A_91 = tpu.memref_squeeze %dma_start3A_90 : memref<1x2x128xi32, #tpu.memory_space<hbm>> -> memref<2x128xi32, #tpu.memory_space<hbm>>
        %dma_start3A_92 = arith.constant 0 : i32
        %dma_start3A_93 = arith.constant 0 : i32
        %dma_start3A_94 = tpu.memref_slice %arg3[%add3A_71, %dma_start3A_92, %dma_start3A_93] : memref<2560x2x128xi32, #tpu.memory_space<hbm>> -> memref<1x2x128xi32, #tpu.memory_space<hbm>>
        %dma_start3A_95 = tpu.memref_squeeze %dma_start3A_94 : memref<1x2x128xi32, #tpu.memory_space<hbm>> -> memref<2x128xi32, #tpu.memory_space<hbm>>
        tpu.enqueue_dma source(%dma_start3A_95 : memref<2x128xi32, #tpu.memory_space<hbm>>) target(%arg6 : memref<2x128xi32, #tpu.memory_space<vmem>>) target_semaphore(%run_scoped3A_87 : memref<!tpu.dma_semaphore, #tpu.memory_space<semaphore_mem>>)
        %dma_wait3A_96 = arith.constant 0 : i32
        %dma_wait3A_97 = arith.constant 0 : i32
        %dma_wait3A_98 = tpu.memref_slice %arg3[%add3A_71, %dma_wait3A_96, %dma_wait3A_97] : memref<2560x2x128xi32, #tpu.memory_space<hbm>> -> memref<1x2x128xi32, #tpu.memory_space<hbm>>
        %dma_wait3A_99 = tpu.memref_squeeze %dma_wait3A_98 : memref<1x2x128xi32, #tpu.memory_space<hbm>> -> memref<2x128xi32, #tpu.memory_space<hbm>>
        %dma_wait3A_100 = arith.constant 0 : i32
        %dma_wait3A_101 = arith.constant 0 : i32
        %dma_wait3A_102 = tpu.memref_slice %arg3[%add3A_71, %dma_wait3A_100, %dma_wait3A_101] : memref<2560x2x128xi32, #tpu.memory_space<hbm>> -> memref<1x2x128xi32, #tpu.memory_space<hbm>>
        %dma_wait3A_103 = tpu.memref_squeeze %dma_wait3A_102 : memref<1x2x128xi32, #tpu.memory_space<hbm>> -> memref<2x128xi32, #tpu.memory_space<hbm>>
        tpu.wait_dma2 semaphore(%run_scoped3A_87 : memref<!tpu.dma_semaphore, #tpu.memory_space<semaphore_mem>>) src(%dma_wait3A_103 : memref<2x128xi32, #tpu.memory_space<hbm>>) dst(%arg6 : memref<2x128xi32, #tpu.memory_space<vmem>>)
        tpu.yield
      }) : () -> ()
      %dma_start3A_72 = arith.constant 0 : i32
      %dma_start3A_73 = arith.constant 0 : i32
      %dma_start3A_74 = tpu.memref_slice %arg6[%dma_start3A_72, %dma_start3A_73] : memref<2x128xi32, #tpu.memory_space<vmem>> -> memref<1x128xi32, #tpu.memory_space<vmem>>
      %dma_start3A_75 = tpu.memref_squeeze %dma_start3A_74 : memref<1x128xi32, #tpu.memory_space<vmem>> -> memref<128xi32, #tpu.memory_space<vmem>>
      %dma_start3A_76 = arith.constant 0 : i32
      %dma_start3A_77 = arith.constant 0 : i32
      %dma_start3A_78 = tpu.memref_slice %arg2[%dma_start3A_76, %dma_start3A_77] : memref<10000x32xf32, #tpu.memory_space<hbm>> -> memref<10000x32xf32, #tpu.memory_space<hbm>>
      tpu.enqueue_indirect_dma source(%dma_start3A_78 : memref<10000x32xf32, #tpu.memory_space<hbm>>) target(%arg8 : memref<128x32xf32, #tpu.memory_space<vmem>>) offsets(%dma_start3A_75 : memref<128xi32, #tpu.memory_space<vmem>>) semaphore(%arg11 : memref<!tpu.dma_semaphore, #tpu.memory_space<semaphore_mem>>)
      %dma_wait3A_79 = arith.constant 0 : i32
      %dma_wait3A_80 = arith.constant 0 : i32
      %dma_wait3A_81 = tpu.memref_slice %arg7[%dma_wait3A_79, %dma_wait3A_80] : memref<2x128xi32, #tpu.memory_space<vmem>> -> memref<1x128xi32, #tpu.memory_space<vmem>>
      %dma_wait3A_82 = tpu.memref_squeeze %dma_wait3A_81 : memref<1x128xi32, #tpu.memory_space<vmem>> -> memref<128xi32, #tpu.memory_space<vmem>>
      %dma_wait3A_83 = arith.constant 0 : i32
      %dma_wait3A_84 = arith.constant 0 : i32
      %dma_wait3A_85 = tpu.memref_slice %arg2[%dma_wait3A_83, %dma_wait3A_84] : memref<10000x32xf32, #tpu.memory_space<hbm>> -> memref<10000x32xf32, #tpu.memory_space<hbm>>
      tpu.wait_indirect_dma semaphore(%arg12 : memref<!tpu.dma_semaphore, #tpu.memory_space<semaphore_mem>>) src(%dma_wait3A_85 : memref<10000x32xf32, #tpu.memory_space<hbm>>) dst(%arg9 : memref<128x32xf32, #tpu.memory_space<vmem>>)
      %run_scoped3A_86 = arith.constant 1 : i32
      "tpu.region"() ({
        %run_scoped3A_87 = tpu.sem_alloc : memref<!tpu.dma_semaphore, #tpu.memory_space<semaphore_mem>>
        %dma_start3A_88 = arith.constant 0 : i32
        %dma_start3A_89 = tpu.memref_slice %arg7[%run_scoped3A_86, %dma_start3A_88] : memref<2x128xi32, #tpu.memory_space<vmem>> -> memref<1x128xi32, #tpu.memory_space<vmem>>
        %dma_start3A_90 = tpu.memref_squeeze %dma_start3A_89 : memref<1x128xi32, #tpu.memory_space<vmem>> -> memref<128xi32, #tpu.memory_space<vmem>>
        %dma_start3A_91 = arith.constant 0 : i32
        %dma_start3A_92 = arith.constant 0 : i32
        %dma_start3A_93 = tpu.memref_slice %arg10[%dma_start3A_91, %dma_start3A_92] : memref<10240x32xf32, #tpu.memory_space<vmem_shared>> -> memref<10240x32xf32, #tpu.memory_space<vmem_shared>>
        tpu.enqueue_indirect_dma source(%arg9 : memref<128x32xf32, #tpu.memory_space<vmem>>) target(%dma_start3A_93 : memref<10240x32xf32, #tpu.memory_space<vmem_shared>>) offsets(%dma_start3A_90 : memref<128xi32, #tpu.memory_space<vmem>>) semaphore(%run_scoped3A_87 : memref<!tpu.dma_semaphore, #tpu.memory_space<semaphore_mem>>) {add = true}
        %dma_wait3A_94 = arith.constant 0 : i32
        %dma_wait3A_95 = tpu.memref_slice %arg7[%run_scoped3A_86, %dma_wait3A_94] : memref<2x128xi32, #tpu.memory_space<vmem>> -> memref<1x128xi32, #tpu.memory_space<vmem>>
        %dma_wait3A_96 = tpu.memref_squeeze %dma_wait3A_95 : memref<1x128xi32, #tpu.memory_space<vmem>> -> memref<128xi32, #tpu.memory_space<vmem>>
        %dma_wait3A_97 = arith.constant 0 : i32
        %dma_wait3A_98 = arith.constant 0 : i32
        %dma_wait3A_99 = tpu.memref_slice %arg10[%dma_wait3A_97, %dma_wait3A_98] : memref<10240x32xf32, #tpu.memory_space<vmem_shared>> -> memref<10240x32xf32, #tpu.memory_space<vmem_shared>>
        tpu.wait_indirect_dma semaphore(%run_scoped3A_87 : memref<!tpu.dma_semaphore, #tpu.memory_space<semaphore_mem>>) src(%arg9 : memref<128x32xf32, #tpu.memory_space<vmem>>) dst(%dma_wait3A_99 : memref<10240x32xf32, #tpu.memory_space<vmem_shared>>)
        tpu.yield
      }) : () -> ()
    }
    %scan3A_14 = arith.constant 39 : i32
    %add3A_15 = arith.constant 2528 : i32
    %add3A_16 = arith.addi %add3A, %add3A_15 : i32
    "tpu.region"() ({
      %run_scoped3A_43 = tpu.sem_alloc : memref<!tpu.dma_semaphore, #tpu.memory_space<semaphore_mem>>
      %dma_start3A_44 = arith.constant 0 : i32
      %dma_start3A_45 = arith.constant 0 : i32
      %dma_start3A_46 = tpu.memref_slice %arg3[%add3A_16, %dma_start3A_44, %dma_start3A_45] : memref<2560x2x128xi32, #tpu.memory_space<hbm>> -> memref<1x2x128xi32, #tpu.memory_space<hbm>>
      %dma_start3A_47 = tpu.memref_squeeze %dma_start3A_46 : memref<1x2x128xi32, #tpu.memory_space<hbm>> -> memref<2x128xi32, #tpu.memory_space<hbm>>
      %dma_start3A_48 = arith.constant 0 : i32
      %dma_start3A_49 = arith.constant 0 : i32
      %dma_start3A_50 = tpu.memref_slice %arg3[%add3A_16, %dma_start3A_48, %dma_start3A_49] : memref<2560x2x128xi32, #tpu.memory_space<hbm>> -> memref<1x2x128xi32, #tpu.memory_space<hbm>>
      %dma_start3A_51 = tpu.memref_squeeze %dma_start3A_50 : memref<1x2x128xi32, #tpu.memory_space<hbm>> -> memref<2x128xi32, #tpu.memory_space<hbm>>
      tpu.enqueue_dma source(%dma_start3A_51 : memref<2x128xi32, #tpu.memory_space<hbm>>) target(%arg7 : memref<2x128xi32, #tpu.memory_space<vmem>>) target_semaphore(%run_scoped3A_43 : memref<!tpu.dma_semaphore, #tpu.memory_space<semaphore_mem>>)
      %dma_wait3A_52 = arith.constant 0 : i32
      %dma_wait3A_53 = arith.constant 0 : i32
      %dma_wait3A_54 = tpu.memref_slice %arg3[%add3A_16, %dma_wait3A_52, %dma_wait3A_53] : memref<2560x2x128xi32, #tpu.memory_space<hbm>> -> memref<1x2x128xi32, #tpu.memory_space<hbm>>
      %dma_wait3A_55 = tpu.memref_squeeze %dma_wait3A_54 : memref<1x2x128xi32, #tpu.memory_space<hbm>> -> memref<2x128xi32, #tpu.memory_space<hbm>>
      %dma_wait3A_56 = arith.constant 0 : i32
      %dma_wait3A_57 = arith.constant 0 : i32
      %dma_wait3A_58 = tpu.memref_slice %arg3[%add3A_16, %dma_wait3A_56, %dma_wait3A_57] : memref<2560x2x128xi32, #tpu.memory_space<hbm>> -> memref<1x2x128xi32, #tpu.memory_space<hbm>>
      %dma_wait3A_59 = tpu.memref_squeeze %dma_wait3A_58 : memref<1x2x128xi32, #tpu.memory_space<hbm>> -> memref<2x128xi32, #tpu.memory_space<hbm>>
      tpu.wait_dma2 semaphore(%run_scoped3A_43 : memref<!tpu.dma_semaphore, #tpu.memory_space<semaphore_mem>>) src(%dma_wait3A_59 : memref<2x128xi32, #tpu.memory_space<hbm>>) dst(%arg7 : memref<2x128xi32, #tpu.memory_space<vmem>>)
      tpu.yield
    }) : () -> ()
    %dma_start3A_17 = arith.constant 0 : i32
    %dma_start3A_18 = arith.constant 0 : i32
    %dma_start3A_19 = tpu.memref_slice %arg7[%dma_start3A_17, %dma_start3A_18] : memref<2x128xi32, #tpu.memory_space<vmem>> -> memref<1x128xi32, #tpu.memory_space<vmem>>
    %dma_start3A_20 = tpu.memref_squeeze %dma_start3A_19 : memref<1x128xi32, #tpu.memory_space<vmem>> -> memref<128xi32, #tpu.memory_space<vmem>>
    %dma_start3A_21 = arith.constant 0 : i32
    %dma_start3A_22 = arith.constant 0 : i32
    %dma_start3A_23 = tpu.memref_slice %arg2[%dma_start3A_21, %dma_start3A_22] : memref<10000x32xf32, #tpu.memory_space<hbm>> -> memref<10000x32xf32, #tpu.memory_space<hbm>>
    tpu.enqueue_indirect_dma source(%dma_start3A_23 : memref<10000x32xf32, #tpu.memory_space<hbm>>) target(%arg9 : memref<128x32xf32, #tpu.memory_space<vmem>>) offsets(%dma_start3A_20 : memref<128xi32, #tpu.memory_space<vmem>>) semaphore(%arg12 : memref<!tpu.dma_semaphore, #tpu.memory_space<semaphore_mem>>)
    %dma_wait3A = arith.constant 0 : i32
    %dma_wait3A_24 = arith.constant 0 : i32
    %dma_wait3A_25 = tpu.memref_slice %arg6[%dma_wait3A, %dma_wait3A_24] : memref<2x128xi32, #tpu.memory_space<vmem>> -> memref<1x128xi32, #tpu.memory_space<vmem>>
    %dma_wait3A_26 = tpu.memref_squeeze %dma_wait3A_25 : memref<1x128xi32, #tpu.memory_space<vmem>> -> memref<128xi32, #tpu.memory_space<vmem>>
    %dma_wait3A_27 = arith.constant 0 : i32
    %dma_wait3A_28 = arith.constant 0 : i32
    %dma_wait3A_29 = tpu.memref_slice %arg2[%dma_wait3A_27, %dma_wait3A_28] : memref<10000x32xf32, #tpu.memory_space<hbm>> -> memref<10000x32xf32, #tpu.memory_space<hbm>>
    tpu.wait_indirect_dma semaphore(%arg11 : memref<!tpu.dma_semaphore, #tpu.memory_space<semaphore_mem>>) src(%dma_wait3A_29 : memref<10000x32xf32, #tpu.memory_space<hbm>>) dst(%arg8 : memref<128x32xf32, #tpu.memory_space<vmem>>)
    %run_scoped3A = arith.constant 1 : i32
    "tpu.region"() ({
      %run_scoped3A_43 = tpu.sem_alloc : memref<!tpu.dma_semaphore, #tpu.memory_space<semaphore_mem>>
      %dma_start3A_44 = arith.constant 0 : i32
      %dma_start3A_45 = tpu.memref_slice %arg6[%run_scoped3A, %dma_start3A_44] : memref<2x128xi32, #tpu.memory_space<vmem>> -> memref<1x128xi32, #tpu.memory_space<vmem>>
      %dma_start3A_46 = tpu.memref_squeeze %dma_start3A_45 : memref<1x128xi32, #tpu.memory_space<vmem>> -> memref<128xi32, #tpu.memory_space<vmem>>
      %dma_start3A_47 = arith.constant 0 : i32
      %dma_start3A_48 = arith.constant 0 : i32
      %dma_start3A_49 = tpu.memref_slice %arg10[%dma_start3A_47, %dma_start3A_48] : memref<10240x32xf32, #tpu.memory_space<vmem_shared>> -> memref<10240x32xf32, #tpu.memory_space<vmem_shared>>
      tpu.enqueue_indirect_dma source(%arg8 : memref<128x32xf32, #tpu.memory_space<vmem>>) target(%dma_start3A_49 : memref<10240x32xf32, #tpu.memory_space<vmem_shared>>) offsets(%dma_start3A_46 : memref<128xi32, #tpu.memory_space<vmem>>) semaphore(%run_scoped3A_43 : memref<!tpu.dma_semaphore, #tpu.memory_space<semaphore_mem>>) {add = true}
      %dma_wait3A_50 = arith.constant 0 : i32
      %dma_wait3A_51 = tpu.memref_slice %arg6[%run_scoped3A, %dma_wait3A_50] : memref<2x128xi32, #tpu.memory_space<vmem>> -> memref<1x128xi32, #tpu.memory_space<vmem>>
      %dma_wait3A_52 = tpu.memref_squeeze %dma_wait3A_51 : memref<1x128xi32, #tpu.memory_space<vmem>> -> memref<128xi32, #tpu.memory_space<vmem>>
      %dma_wait3A_53 = arith.constant 0 : i32
      %dma_wait3A_54 = arith.constant 0 : i32
      %dma_wait3A_55 = tpu.memref_slice %arg10[%dma_wait3A_53, %dma_wait3A_54] : memref<10240x32xf32, #tpu.memory_space<vmem_shared>> -> memref<10240x32xf32, #tpu.memory_space<vmem_shared>>
      tpu.wait_indirect_dma semaphore(%run_scoped3A_43 : memref<!tpu.dma_semaphore, #tpu.memory_space<semaphore_mem>>) src(%arg8 : memref<128x32xf32, #tpu.memory_space<vmem>>) dst(%dma_wait3A_55 : memref<10240x32xf32, #tpu.memory_space<vmem_shared>>)
      tpu.yield
    }) : () -> ()
    %dma_wait3A_30 = arith.constant 0 : i32
    %dma_wait3A_31 = arith.constant 0 : i32
    %dma_wait3A_32 = tpu.memref_slice %arg7[%dma_wait3A_30, %dma_wait3A_31] : memref<2x128xi32, #tpu.memory_space<vmem>> -> memref<1x128xi32, #tpu.memory_space<vmem>>
    %dma_wait3A_33 = tpu.memref_squeeze %dma_wait3A_32 : memref<1x128xi32, #tpu.memory_space<vmem>> -> memref<128xi32, #tpu.memory_space<vmem>>
    %dma_wait3A_34 = arith.constant 0 : i32
    %dma_wait3A_35 = arith.constant 0 : i32
    %dma_wait3A_36 = tpu.memref_slice %arg2[%dma_wait3A_34, %dma_wait3A_35] : memref<10000x32xf32, #tpu.memory_space<hbm>> -> memref<10000x32xf32, #tpu.memory_space<hbm>>
    tpu.wait_indirect_dma semaphore(%arg12 : memref<!tpu.dma_semaphore, #tpu.memory_space<semaphore_mem>>) src(%dma_wait3A_36 : memref<10000x32xf32, #tpu.memory_space<hbm>>) dst(%arg9 : memref<128x32xf32, #tpu.memory_space<vmem>>)
    %run_scoped3A_37 = arith.constant 1 : i32
    "tpu.region"() ({
      %run_scoped3A_43 = tpu.sem_alloc : memref<!tpu.dma_semaphore, #tpu.memory_space<semaphore_mem>>
      %dma_start3A_44 = arith.constant 0 : i32
      %dma_start3A_45 = tpu.memref_slice %arg7[%run_scoped3A_37, %dma_start3A_44] : memref<2x128xi32, #tpu.memory_space<vmem>> -> memref<1x128xi32, #tpu.memory_space<vmem>>
      %dma_start3A_46 = tpu.memref_squeeze %dma_start3A_45 : memref<1x128xi32, #tpu.memory_space<vmem>> -> memref<128xi32, #tpu.memory_space<vmem>>
      %dma_start3A_47 = arith.constant 0 : i32
      %dma_start3A_48 = arith.constant 0 : i32
      %dma_start3A_49 = tpu.memref_slice %arg10[%dma_start3A_47, %dma_start3A_48] : memref<10240x32xf32, #tpu.memory_space<vmem_shared>> -> memref<10240x32xf32, #tpu.memory_space<vmem_shared>>
      tpu.enqueue_indirect_dma source(%arg9 : memref<128x32xf32, #tpu.memory_space<vmem>>) target(%dma_start3A_49 : memref<10240x32xf32, #tpu.memory_space<vmem_shared>>) offsets(%dma_start3A_46 : memref<128xi32, #tpu.memory_space<vmem>>) semaphore(%run_scoped3A_43 : memref<!tpu.dma_semaphore, #tpu.memory_space<semaphore_mem>>) {add = true}
      %dma_wait3A_50 = arith.constant 0 : i32
      %dma_wait3A_51 = tpu.memref_slice %arg7[%run_scoped3A_37, %dma_wait3A_50] : memref<2x128xi32, #tpu.memory_space<vmem>> -> memref<1x128xi32, #tpu.memory_space<vmem>>
      %dma_wait3A_52 = tpu.memref_squeeze %dma_wait3A_51 : memref<1x128xi32, #tpu.memory_space<vmem>> -> memref<128xi32, #tpu.memory_space<vmem>>
      %dma_wait3A_53 = arith.constant 0 : i32
      %dma_wait3A_54 = arith.constant 0 : i32
      %dma_wait3A_55 = tpu.memref_slice %arg10[%dma_wait3A_53, %dma_wait3A_54] : memref<10240x32xf32, #tpu.memory_space<vmem_shared>> -> memref<10240x32xf32, #tpu.memory_space<vmem_shared>>
      tpu.wait_indirect_dma semaphore(%run_scoped3A_43 : memref<!tpu.dma_semaphore, #tpu.memory_space<semaphore_mem>>) src(%arg9 : memref<128x32xf32, #tpu.memory_space<vmem>>) dst(%dma_wait3A_55 : memref<10240x32xf32, #tpu.memory_space<vmem_shared>>)
      tpu.yield
    }) : () -> ()
    %barrier3A_38 = arith.constant 0 : index
    tpu.barrier barrier_id(%barrier3A_38)
    %mul3A_39 = arith.constant 640 : i32
    %mul3A_40 = arith.muli %arg1, %mul3A_39 : i32
    %mul3A_41 = arith.constant 640 : i32
    %mul3A_42 = arith.muli %arg1, %mul3A_41 : i32
    "tpu.region"() ({
      %run_scoped3A_43 = tpu.sem_alloc : memref<!tpu.dma_semaphore, #tpu.memory_space<semaphore_mem>>
      %dma_start3A_44 = arith.constant 0 : i32
      %dma_start3A_45 = tpu.memref_slice %arg5[%arg0, %mul3A_42, %dma_start3A_44] : memref<2x10240x32xf32, #tpu.memory_space<hbm>> -> memref<1x640x32xf32, #tpu.memory_space<hbm>>
      %dma_start3A_46 = tpu.memref_squeeze %dma_start3A_45 : memref<1x640x32xf32, #tpu.memory_space<hbm>> -> memref<640x32xf32, #tpu.memory_space<hbm>>
      %dma_start3A_47 = arith.constant 0 : i32
      %dma_start3A_48 = tpu.memref_slice %arg10[%mul3A_40, %dma_start3A_47] : memref<10240x32xf32, #tpu.memory_space<vmem_shared>> -> memref<640x32xf32, #tpu.memory_space<vmem_shared>>
      tpu.enqueue_dma source(%dma_start3A_48 : memref<640x32xf32, #tpu.memory_space<vmem_shared>>) target(%dma_start3A_46 : memref<640x32xf32, #tpu.memory_space<hbm>>) target_semaphore(%run_scoped3A_43 : memref<!tpu.dma_semaphore, #tpu.memory_space<semaphore_mem>>)
      %dma_wait3A_49 = arith.constant 0 : i32
      %dma_wait3A_50 = tpu.memref_slice %arg5[%arg0, %mul3A_42, %dma_wait3A_49] : memref<2x10240x32xf32, #tpu.memory_space<hbm>> -> memref<1x640x32xf32, #tpu.memory_space<hbm>>
      %dma_wait3A_51 = tpu.memref_squeeze %dma_wait3A_50 : memref<1x640x32xf32, #tpu.memory_space<hbm>> -> memref<640x32xf32, #tpu.memory_space<hbm>>
      %dma_wait3A_52 = arith.constant 0 : i32
      %dma_wait3A_53 = tpu.memref_slice %arg10[%mul3A_40, %dma_wait3A_52] : memref<10240x32xf32, #tpu.memory_space<vmem_shared>> -> memref<640x32xf32, #tpu.memory_space<vmem_shared>>
      tpu.wait_dma2 semaphore(%run_scoped3A_43 : memref<!tpu.dma_semaphore, #tpu.memory_space<semaphore_mem>>) src(%dma_wait3A_53 : memref<640x32xf32, #tpu.memory_space<vmem_shared>>) dst(%dma_wait3A_51 : memref<640x32xf32, #tpu.memory_space<hbm>>)
      tpu.yield
    }) : () -> ()
    return
  }
}

module attributes {stable_mosaic.version = 14 : i64} {
  func.func @_mm_body(%arg0: i32, %arg1: memref<2000x128xf32, #tpu.memory_space<vmem>>, %arg2: memref<128x128xf32, #tpu.memory_space<vmem>>, %arg3: memref<2000x64xf32, #tpu.memory_space<vmem>>, %arg4: memref<2000x64xf32, #tpu.memory_space<vmem>>) attributes {dimension_semantics = [#tpu.dimension_semantics<arbitrary>], iteration_bounds = array<i64: 5>, scalar_prefetch = 0 : i64, scratch_operands = 0 : i64, tpu.core_type = #tpu.core_type<tc>, window_params = [{transform_indices = @transform_0, window_bounds = array<i64: 2000, 128>}, {pipeline_mode = #tpu.pipeline_mode<synchronous>, transform_indices = @transform_1, window_bounds = array<i64: 128, 128>}, {transform_indices = @transform_2, window_bounds = array<i64: 2000, 64>}, {transform_indices = @transform_3, window_bounds = array<i64: 2000, 64>}]} {
    %get3A = arith.constant 0 : index
    %get3A_0 = arith.constant 0 : index
    %get3A_1 = vector.load %arg1[%get3A, %get3A_0] : memref<2000x128xf32, #tpu.memory_space<vmem>>, vector<2000x128xf32>
    %get3A_2 = arith.constant 0 : index
    %get3A_3 = arith.constant 0 : index
    %get3A_4 = vector.load %arg2[%get3A_2, %get3A_3] : memref<128x128xf32, #tpu.memory_space<vmem>>, vector<128x128xf32>
    %dot_general3A = arith.constant dense<0.000000e+00> : vector<2000x128xf32>
    %dot_general3A_5 = tpu.matmul %get3A_1, %get3A_4, %dot_general3A {dimension_numbers = #tpu.dot_dimension_numbers<[1], [0], [0], [1], [0, 0, 1, 1], [], []>, transpose_lhs_hint = false} : vector<2000x128xf32>, vector<128x128xf32>, vector<2000x128xf32> -> vector<2000x128xf32>
    %slice3A = vector.extract_strided_slice %dot_general3A_5 {offsets = [0, 0], sizes = [2000, 64], strides = [1, 1]} : vector<2000x128xf32> to vector<2000x64xf32>
    %swap3A = arith.constant 0 : index
    %swap3A_6 = arith.constant 0 : index
    %swap3A_7 = vector.load %arg3[%swap3A, %swap3A_6] : memref<2000x64xf32, #tpu.memory_space<vmem>>, vector<2000x64xf32>
    tpu.vector_store %arg3[%swap3A, %swap3A_6], %slice3A {strides = array<i32>} : memref<2000x64xf32, #tpu.memory_space<vmem>>, vector<2000x64xf32>,
    %slice3A_8 = vector.extract_strided_slice %dot_general3A_5 {offsets = [0, 64], sizes = [2000, 64], strides = [1, 1]} : vector<2000x128xf32> to vector<2000x64xf32>
    %swap3A_9 = arith.constant 0 : index
    %swap3A_10 = arith.constant 0 : index
    %swap3A_11 = vector.load %arg4[%swap3A_9, %swap3A_10] : memref<2000x64xf32, #tpu.memory_space<vmem>>, vector<2000x64xf32>
    tpu.vector_store %arg4[%swap3A_9, %swap3A_10], %slice3A_8 {strides = array<i32>} : memref<2000x64xf32, #tpu.memory_space<vmem>>, vector<2000x64xf32>,
    return
  }
  func.func @transform_0(%arg0: i32) -> (i32, i32) {
    %c0_i32 = arith.constant 0 : i32
    %c0_i32_0 = arith.constant 0 : i32
    return %arg0, %c0_i32 : i32, i32
  }
  func.func @transform_1(%arg0: i32) -> (i32, i32) {
    %c0_i32 = arith.constant 0 : i32
    %c0_i32_0 = arith.constant 0 : i32
    %c0_i32_1 = arith.constant 0 : i32
    return %c0_i32, %c0_i32_0 : i32, i32
  }
  func.func @transform_2(%arg0: i32) -> (i32, i32) {
    %c0_i32 = arith.constant 0 : i32
    %c0_i32_0 = arith.constant 0 : i32
    return %arg0, %c0_i32 : i32, i32
  }
  func.func @transform_3(%arg0: i32) -> (i32, i32) {
    %c0_i32 = arith.constant 0 : i32
    %c0_i32_0 = arith.constant 0 : i32
    return %arg0, %c0_i32 : i32, i32
  }
}

module attributes {stable_mosaic.version = 14 : i64} {
  func.func @_combine_body(%arg0: i32, %arg1: memref<1x2000x64xf32, #tpu.memory_space<vmem>>, %arg2: memref<1x2000x64xf32, #tpu.memory_space<vmem>>, %arg3: memref<2000x1xf32, #tpu.memory_space<vmem>>, %arg4: memref<2000x1xf32, #tpu.memory_space<vmem>>, %arg5: memref<2000x64xf32, #tpu.memory_space<vmem>>, %arg6: memref<1x64xf32, #tpu.memory_space<vmem>>, %arg7: memref<64x64xf32, #tpu.memory_space<vmem>>, %arg8: memref<2000x32xf32, #tpu.memory_space<vmem>>, %arg9: memref<2000x32xf32, #tpu.memory_space<vmem>>) attributes {dimension_semantics = [#tpu.dimension_semantics<arbitrary>], iteration_bounds = array<i64: 5>, scalar_prefetch = 0 : i64, scratch_operands = 0 : i64, tpu.core_type = #tpu.core_type<tc>, window_params = [{transform_indices = @transform_0, window_bounds = array<i64: 1, 2000, 64>}, {transform_indices = @transform_1, window_bounds = array<i64: 1, 2000, 64>}, {transform_indices = @transform_2, window_bounds = array<i64: 2000, 1>}, {transform_indices = @transform_3, window_bounds = array<i64: 2000, 1>}, {transform_indices = @transform_4, window_bounds = array<i64: 2000, 64>}, {pipeline_mode = #tpu.pipeline_mode<synchronous>, transform_indices = @transform_5, window_bounds = array<i64: 1, 64>}, {pipeline_mode = #tpu.pipeline_mode<synchronous>, transform_indices = @transform_6, window_bounds = array<i64: 64, 64>}, {transform_indices = @transform_7, window_bounds = array<i64: 2000, 32>}, {transform_indices = @transform_8, window_bounds = array<i64: 2000, 32>}]} {
    %get3A = arith.constant 0 : index
    %get3A_0 = arith.constant 0 : index
    %get3A_1 = vector.load %arg3[%get3A, %get3A_0] : memref<2000x1xf32, #tpu.memory_space<vmem>>, vector<2000x1xf32>
    %get3A_2 = arith.constant 0 : index
    %get3A_3 = arith.constant 0 : index
    %get3A_4 = vector.load %arg4[%get3A_2, %get3A_3] : memref<2000x1xf32, #tpu.memory_space<vmem>>, vector<2000x1xf32>
    %add3A = arith.addf %get3A_1, %get3A_4 : vector<2000x1xf32>
    %max3A = arith.constant 1.000000e+00 : f32
    %max3A_5 = vector.broadcast %max3A : f32 to vector<2000x1xf32>
    %max3A_6 = arith.maximumf %add3A, %max3A_5 : vector<2000x1xf32>
    %get3A_7 = arith.constant 0 : index
    %get3A_8 = arith.constant 0 : index
    %get3A_9 = arith.constant 0 : index
    %get3A_10 = vector.load %arg1[%get3A_7, %get3A_8, %get3A_9] : memref<1x2000x64xf32, #tpu.memory_space<vmem>>, vector<1x2000x64xf32>
    %get3A_11 = vector.shape_cast %get3A_10 : vector<1x2000x64xf32> to vector<2000x64xf32>
    %get3A_12 = arith.constant 0 : index
    %get3A_13 = arith.constant 0 : index
    %get3A_14 = arith.constant 0 : index
    %get3A_15 = vector.load %arg2[%get3A_12, %get3A_13, %get3A_14] : memref<1x2000x64xf32, #tpu.memory_space<vmem>>, vector<1x2000x64xf32>
    %get3A_16 = vector.shape_cast %get3A_15 : vector<1x2000x64xf32> to vector<2000x64xf32>
    %add3A_17 = arith.addf %get3A_11, %get3A_16 : vector<2000x64xf32>
    %div3A = vector.broadcast %max3A_6 : vector<2000x1xf32> to vector<2000x64xf32>
    %div3A_18 = arith.divf %add3A_17, %div3A : vector<2000x64xf32>
    %get3A_19 = arith.constant 0 : index
    %get3A_20 = arith.constant 0 : index
    %get3A_21 = vector.load %arg6[%get3A_19, %get3A_20] : memref<1x64xf32, #tpu.memory_space<vmem>>, vector<1x64xf32>
    %add3A_22 = vector.broadcast %get3A_21 : vector<1x64xf32> to vector<2000x64xf32>
    %add3A_23 = arith.addf %div3A_18, %add3A_22 : vector<2000x64xf32>
    %get3A_24 = arith.constant 0 : index
    %get3A_25 = arith.constant 0 : index
    %get3A_26 = vector.load %arg5[%get3A_24, %get3A_25] : memref<2000x64xf32, #tpu.memory_space<vmem>>, vector<2000x64xf32>
    %add3A_27 = arith.addf %add3A_23, %get3A_26 : vector<2000x64xf32>
    %max3A_28 = arith.constant 0.000000e+00 : f32
    %max3A_29 = vector.broadcast %max3A_28 : f32 to vector<2000x64xf32>
    %max3A_30 = arith.maximumf %add3A_27, %max3A_29 : vector<2000x64xf32>
    %get3A_31 = arith.constant 0 : index
    %get3A_32 = arith.constant 0 : index
    %get3A_33 = vector.load %arg7[%get3A_31, %get3A_32] : memref<64x64xf32, #tpu.memory_space<vmem>>, vector<64x64xf32>
    %dot_general3A = arith.constant dense<0.000000e+00> : vector<2000x64xf32>
    %dot_general3A_34 = tpu.matmul %max3A_30, %get3A_33, %dot_general3A {dimension_numbers = #tpu.dot_dimension_numbers<[1], [0], [0], [1], [0, 0, 1, 1], [], []>, transpose_lhs_hint = false} : vector<2000x64xf32>, vector<64x64xf32>, vector<2000x64xf32> -> vector<2000x64xf32>
    %slice3A = vector.extract_strided_slice %dot_general3A_34 {offsets = [0, 0], sizes = [2000, 32], strides = [1, 1]} : vector<2000x64xf32> to vector<2000x32xf32>
    %swap3A = arith.constant 0 : index
    %swap3A_35 = arith.constant 0 : index
    %swap3A_36 = vector.load %arg8[%swap3A, %swap3A_35] : memref<2000x32xf32, #tpu.memory_space<vmem>>, vector<2000x32xf32>
    tpu.vector_store %arg8[%swap3A, %swap3A_35], %slice3A {strides = array<i32>} : memref<2000x32xf32, #tpu.memory_space<vmem>>, vector<2000x32xf32>,
    %slice3A_37 = vector.extract_strided_slice %dot_general3A_34 {offsets = [0, 32], sizes = [2000, 32], strides = [1, 1]} : vector<2000x64xf32> to vector<2000x32xf32>
    %swap3A_38 = arith.constant 0 : index
    %swap3A_39 = arith.constant 0 : index
    %swap3A_40 = vector.load %arg9[%swap3A_38, %swap3A_39] : memref<2000x32xf32, #tpu.memory_space<vmem>>, vector<2000x32xf32>
    tpu.vector_store %arg9[%swap3A_38, %swap3A_39], %slice3A_37 {strides = array<i32>} : memref<2000x32xf32, #tpu.memory_space<vmem>>, vector<2000x32xf32>,
    return
  }
  func.func @transform_0(%arg0: i32) -> (i32, i32, i32) {
    %c0_i32 = arith.constant 0 : i32
    %c0_i32_0 = arith.constant 0 : i32
    %c0_i32_1 = arith.constant 0 : i32
    return %c0_i32, %arg0, %c0_i32_0 : i32, i32, i32
  }
  func.func @transform_1(%arg0: i32) -> (i32, i32, i32) {
    %c1_i32 = arith.constant 1 : i32
    %c0_i32 = arith.constant 0 : i32
    %c0_i32_0 = arith.constant 0 : i32
    return %c1_i32, %arg0, %c0_i32 : i32, i32, i32
  }
  func.func @transform_2(%arg0: i32) -> (i32, i32) {
    %c0_i32 = arith.constant 0 : i32
    %c0_i32_0 = arith.constant 0 : i32
    return %arg0, %c0_i32 : i32, i32
  }
  func.func @transform_3(%arg0: i32) -> (i32, i32) {
    %c0_i32 = arith.constant 0 : i32
    %c0_i32_0 = arith.constant 0 : i32
    return %arg0, %c0_i32 : i32, i32
  }
  func.func @transform_4(%arg0: i32) -> (i32, i32) {
    %c0_i32 = arith.constant 0 : i32
    %c0_i32_0 = arith.constant 0 : i32
    return %arg0, %c0_i32 : i32, i32
  }
  func.func @transform_5(%arg0: i32) -> (i32, i32) {
    %c0_i32 = arith.constant 0 : i32
    %c0_i32_0 = arith.constant 0 : i32
    %c0_i32_1 = arith.constant 0 : i32
    return %c0_i32, %c0_i32_0 : i32, i32
  }
  func.func @transform_6(%arg0: i32) -> (i32, i32) {
    %c0_i32 = arith.constant 0 : i32
    %c0_i32_0 = arith.constant 0 : i32
    %c0_i32_1 = arith.constant 0 : i32
    return %c0_i32, %c0_i32_0 : i32, i32
  }
  func.func @transform_7(%arg0: i32) -> (i32, i32) {
    %c0_i32 = arith.constant 0 : i32
    %c0_i32_0 = arith.constant 0 : i32
    return %arg0, %c0_i32 : i32, i32
  }
  func.func @transform_8(%arg0: i32) -> (i32, i32) {
    %c0_i32 = arith.constant 0 : i32
    %c0_i32_0 = arith.constant 0 : i32
    return %arg0, %c0_i32 : i32, i32
  }
}

module attributes {stable_mosaic.version = 14 : i64} {
  func.func @_head_body(%arg0: i32, %arg1: memref<1x2000x32xf32, #tpu.memory_space<vmem>>, %arg2: memref<1x2000x32xf32, #tpu.memory_space<vmem>>, %arg3: memref<2000x1xf32, #tpu.memory_space<vmem>>, %arg4: memref<2000x1xf32, #tpu.memory_space<vmem>>, %arg5: memref<2000x32xf32, #tpu.memory_space<vmem>>, %arg6: memref<1x32xf32, #tpu.memory_space<vmem>>, %arg7: memref<32x1xf32, #tpu.memory_space<vmem>>, %arg8: memref<1x1xf32, #tpu.memory_space<vmem>>, %arg9: memref<2000x1xf32, #tpu.memory_space<vmem>>) attributes {dimension_semantics = [#tpu.dimension_semantics<arbitrary>], iteration_bounds = array<i64: 5>, scalar_prefetch = 0 : i64, scratch_operands = 0 : i64, tpu.core_type = #tpu.core_type<tc>, window_params = [{transform_indices = @transform_0, window_bounds = array<i64: 1, 2000, 32>}, {transform_indices = @transform_1, window_bounds = array<i64: 1, 2000, 32>}, {transform_indices = @transform_2, window_bounds = array<i64: 2000, 1>}, {transform_indices = @transform_3, window_bounds = array<i64: 2000, 1>}, {transform_indices = @transform_4, window_bounds = array<i64: 2000, 32>}, {pipeline_mode = #tpu.pipeline_mode<synchronous>, transform_indices = @transform_5, window_bounds = array<i64: 1, 32>}, {pipeline_mode = #tpu.pipeline_mode<synchronous>, transform_indices = @transform_6, window_bounds = array<i64: 32, 1>}, {pipeline_mode = #tpu.pipeline_mode<synchronous>, transform_indices = @transform_7, window_bounds = array<i64: 1, 1>}, {transform_indices = @transform_8, window_bounds = array<i64: 2000, 1>}]} {
    %get3A = arith.constant 0 : index
    %get3A_0 = arith.constant 0 : index
    %get3A_1 = vector.load %arg3[%get3A, %get3A_0] : memref<2000x1xf32, #tpu.memory_space<vmem>>, vector<2000x1xf32>
    %get3A_2 = arith.constant 0 : index
    %get3A_3 = arith.constant 0 : index
    %get3A_4 = vector.load %arg4[%get3A_2, %get3A_3] : memref<2000x1xf32, #tpu.memory_space<vmem>>, vector<2000x1xf32>
    %add3A = arith.addf %get3A_1, %get3A_4 : vector<2000x1xf32>
    %max3A = arith.constant 1.000000e+00 : f32
    %max3A_5 = vector.broadcast %max3A : f32 to vector<2000x1xf32>
    %max3A_6 = arith.maximumf %add3A, %max3A_5 : vector<2000x1xf32>
    %get3A_7 = arith.constant 0 : index
    %get3A_8 = arith.constant 0 : index
    %get3A_9 = arith.constant 0 : index
    %get3A_10 = vector.load %arg1[%get3A_7, %get3A_8, %get3A_9] : memref<1x2000x32xf32, #tpu.memory_space<vmem>>, vector<1x2000x32xf32>
    %get3A_11 = vector.shape_cast %get3A_10 : vector<1x2000x32xf32> to vector<2000x32xf32>
    %get3A_12 = arith.constant 0 : index
    %get3A_13 = arith.constant 0 : index
    %get3A_14 = arith.constant 0 : index
    %get3A_15 = vector.load %arg2[%get3A_12, %get3A_13, %get3A_14] : memref<1x2000x32xf32, #tpu.memory_space<vmem>>, vector<1x2000x32xf32>
    %get3A_16 = vector.shape_cast %get3A_15 : vector<1x2000x32xf32> to vector<2000x32xf32>
    %add3A_17 = arith.addf %get3A_11, %get3A_16 : vector<2000x32xf32>
    %div3A = vector.broadcast %max3A_6 : vector<2000x1xf32> to vector<2000x32xf32>
    %div3A_18 = arith.divf %add3A_17, %div3A : vector<2000x32xf32>
    %get3A_19 = arith.constant 0 : index
    %get3A_20 = arith.constant 0 : index
    %get3A_21 = vector.load %arg6[%get3A_19, %get3A_20] : memref<1x32xf32, #tpu.memory_space<vmem>>, vector<1x32xf32>
    %add3A_22 = vector.broadcast %get3A_21 : vector<1x32xf32> to vector<2000x32xf32>
    %add3A_23 = arith.addf %div3A_18, %add3A_22 : vector<2000x32xf32>
    %get3A_24 = arith.constant 0 : index
    %get3A_25 = arith.constant 0 : index
    %get3A_26 = vector.load %arg5[%get3A_24, %get3A_25] : memref<2000x32xf32, #tpu.memory_space<vmem>>, vector<2000x32xf32>
    %add3A_27 = arith.addf %add3A_23, %get3A_26 : vector<2000x32xf32>
    %max3A_28 = arith.constant 0.000000e+00 : f32
    %max3A_29 = vector.broadcast %max3A_28 : f32 to vector<2000x32xf32>
    %max3A_30 = arith.maximumf %add3A_27, %max3A_29 : vector<2000x32xf32>
    %get3A_31 = arith.constant 0 : index
    %get3A_32 = arith.constant 0 : index
    %get3A_33 = vector.load %arg7[%get3A_31, %get3A_32] : memref<32x1xf32, #tpu.memory_space<vmem>>, vector<32x1xf32>
    %dot_general3A = arith.constant dense<0.000000e+00> : vector<2000x1xf32>
    %dot_general3A_34 = tpu.matmul %max3A_30, %get3A_33, %dot_general3A {dimension_numbers = #tpu.dot_dimension_numbers<[1], [0], [0], [1], [0, 0, 1, 1], [], []>, transpose_lhs_hint = false} : vector<2000x32xf32>, vector<32x1xf32>, vector<2000x1xf32> -> vector<2000x1xf32>
    %get3A_35 = arith.constant 0 : index
    %get3A_36 = arith.constant 0 : index
    %get3A_37 = vector.load %arg8[%get3A_35, %get3A_36] : memref<1x1xf32, #tpu.memory_space<vmem>>, vector<1x1xf32>
    %add3A_38 = vector.broadcast %get3A_37 : vector<1x1xf32> to vector<2000x1xf32>
    %add3A_39 = arith.addf %dot_general3A_34, %add3A_38 : vector<2000x1xf32>
    %swap3A = arith.constant 0 : index
    %swap3A_40 = arith.constant 0 : index
    %swap3A_41 = vector.load %arg9[%swap3A, %swap3A_40] : memref<2000x1xf32, #tpu.memory_space<vmem>>, vector<2000x1xf32>
    tpu.vector_store %arg9[%swap3A, %swap3A_40], %add3A_39 {strides = array<i32>} : memref<2000x1xf32, #tpu.memory_space<vmem>>, vector<2000x1xf32>,
    return
  }
  func.func @transform_0(%arg0: i32) -> (i32, i32, i32) {
    %c0_i32 = arith.constant 0 : i32
    %c0_i32_0 = arith.constant 0 : i32
    %c0_i32_1 = arith.constant 0 : i32
    return %c0_i32, %arg0, %c0_i32_0 : i32, i32, i32
  }
  func.func @transform_1(%arg0: i32) -> (i32, i32, i32) {
    %c1_i32 = arith.constant 1 : i32
    %c0_i32 = arith.constant 0 : i32
    %c0_i32_0 = arith.constant 0 : i32
    return %c1_i32, %arg0, %c0_i32 : i32, i32, i32
  }
  func.func @transform_2(%arg0: i32) -> (i32, i32) {
    %c0_i32 = arith.constant 0 : i32
    %c0_i32_0 = arith.constant 0 : i32
    return %arg0, %c0_i32 : i32, i32
  }
  func.func @transform_3(%arg0: i32) -> (i32, i32) {
    %c0_i32 = arith.constant 0 : i32
    %c0_i32_0 = arith.constant 0 : i32
    return %arg0, %c0_i32 : i32, i32
  }
  func.func @transform_4(%arg0: i32) -> (i32, i32) {
    %c0_i32 = arith.constant 0 : i32
    %c0_i32_0 = arith.constant 0 : i32
    return %arg0, %c0_i32 : i32, i32
  }
  func.func @transform_5(%arg0: i32) -> (i32, i32) {
    %c0_i32 = arith.constant 0 : i32
    %c0_i32_0 = arith.constant 0 : i32
    %c0_i32_1 = arith.constant 0 : i32
    return %c0_i32, %c0_i32_0 : i32, i32
  }
  func.func @transform_6(%arg0: i32) -> (i32, i32) {
    %c0_i32 = arith.constant 0 : i32
    %c0_i32_0 = arith.constant 0 : i32
    %c0_i32_1 = arith.constant 0 : i32
    return %c0_i32, %c0_i32_0 : i32, i32
  }
  func.func @transform_7(%arg0: i32) -> (i32, i32) {
    %c0_i32 = arith.constant 0 : i32
    %c0_i32_0 = arith.constant 0 : i32
    %c0_i32_1 = arith.constant 0 : i32
    return %c0_i32, %c0_i32_0 : i32, i32
  }
  func.func @transform_8(%arg0: i32) -> (i32, i32) {
    %c0_i32 = arith.constant 0 : i32
    %c0_i32_0 = arith.constant 0 : i32
    return %arg0, %c0_i32 : i32, i32
  }
}

</mosaic_0001>

<sc_bundles>
// kernel: kernel.10.cloned.1.call-start
scs
__scs_entry_jumppad:
0x0: {  	(pc) =	sbr.rel $0x88, $3  }
0x1: {  	(tag) =	ssettag $0x0;
	lr =	simm.s32 $0x1  }
0x2: {  	[smem:$0x3F97] =	sst lr;
	_ =	strace $0xD0000000  }
0x3: {  	_ = 	snop  }
0x4: {  	_ = 	snop  }
0x5: {  	_ = 	snop  }
0x6: {  	_ = 	snop  }
0x7: {  	_ = 	snop  }
__scs_overlays_trampoline_lowered:
0x8: {  	[smem:$0x3FA6] =	sst s0  }
0x9: {  	[smem:$0x3FA7] =	sst s1  }
0xa: {  	[smem:$0x3FA8] =	sst s2  }
0xb: {  	[smem:$0x3FA9] =	sst s3  }
0xc: {  	[smem:$0x3FAA] =	sst s4  }
0xd: {  	[smem:$0x3FAB] =	sst s5  }
0xe: {  	[smem:$0x3FAC] =	sst s6  }
0xf: {  	[smem:$0x3FAD] =	sst s7  }
0x10: {  	[smem:$0x3FAE] =	sst s8  }
0x11: {  	[smem:$0x3FAF] =	sst s9;
	s0 =	simm.s32 @!p0 $0x0  }
0x12: {  	s1 =	sld [smem:$0x3F95];
	s0 =	simm.s32 @p0 $0x1  }
0x13: {  	[smem:$0x3FB0] =	sst s0;
	s0 =	simm.s32 @!p1 $0x0  }
0x14: {  	s2 =	sld [smem:$0x3F94];
	s0 =	simm.s32 @p1 $0x1  }
0x15: {  	[smem:$0x3FB1] =	sst s0;
	s0 =	simm.s32 @!p2 $0x0  }
0x16: {  	s3 =	sld [smem:$0x3FDB];
	s0 =	simm.s32 @p2 $0x1  }
0x17: {  	s4 =	simm.s32 $0x1BF5;
	[smem:$0x3FB3] =	sst s0  }
0x18: {  	s0 =	sld [smem:$0x3F96];
	_ =	swait.ge [sflag:s4], $0x0  }
0x19: {  	s7 =	sld [smem:$0x3F97]  }
0x1a: {  	s8 =	sadd.s32 $0xFFFFE003, lr  }
0x1b: {  	s9 =	sadd.s32 $0xFFFFFEF7, lr;
	s5 =	simm.s32 $0xFFFFFFFF;
	p2 =	slt.u32 s8, $0xFFFFF086  }
0x1c: {  	p1 =	slt.u32 s9, $0xF7A;
	s5 =	simm.s32 @!p2 $0x0  }
0x1d: {  	s5 =	simm.s32 @p1 $0x1;
	p0 =	seq.s32 s7, s2  }
0x1e: {  	s7 =	smul.u32 @!p0 $0xF7A, s2;
	p2 =	seq.s32 @!p0 s5, $0x0  }
0x1f: {  	s9 =	smul.u32 $0xF7A, s1;
	s8 =	simm.s32 @!p0 $0x1BF5;
	p2 =	por !p2, p0  }
0x20: {  	[sflag:s8] =	ssyncset.s32 @!p0 $0xFFFFF086;
	s6 =	sadd.s32 @!p0 s3, s7;
	s7 =	simm.s32 @!p0 $0x108  }
0x21: {  	s3 =	sadd.s32 s3, s9;
	s6 =	sadd.s32 @!p0 $0x88, s6;
	s7 =	simm.s32 @p2 $0x1082  }
0x22: {  	[simem:s7], [sflag:s8] =	dma.local @!p0 [hbm:s6], $0xF7A  }
0x23: {  	s9 =	sor.u32 $0xD0000000, s2;
	s6 =	simm.s32 $0x108;
	_ =	swait.ge @!p0 [sflag:s8], $0x0  }
0x24: {  	s3 =	sadd.s32 $0x88, s3;
	s6 =	simm.s32 @!p1 $0x1082;
	[sflag:s4] =	ssyncset.s32 $0xFFFFF086  }
0x25: {  	[simem:s6], [sflag:s4] =	dma.local [hbm:s3], $0xF7A  }
0x26: {  	[smem:$0x3F97] =	sst s1;
	(tag) =	ssettag s2;
	_ =	strace s9  }
0x27: {  	s1 =	sld [smem:$0x3FA7]  }
0x28: {  	s2 =	sld [smem:$0x3FA8]  }
0x29: {  	s4 =	sld [smem:$0x3FAA]  }
0x2a: {  	p0 =	seq.s32 s5, $0x0;
	s5 =	sld [smem:$0x3FAB]  }
0x2b: {  	s6 =	sld [smem:$0x3FAC]  }
0x2c: {  	s7 =	sld [smem:$0x3FAD]  }
0x2d: {  	s3 =	simm.s32 $0x108;
	s8 =	sld [smem:$0x3FAE]  }
0x2e: {  	s3 =	simm.s32 @!p0 $0x1082;
	s9 =	sld [smem:$0x3FAF]  }
0x2f: {  	lr =	sadd.s32 s0, s3;
	s0 =	sld [smem:$0x3FA6]  }
0x30: {  	s3 =	sld [smem:$0x3FA9]  }
0x31: {  	[smem:$0x3FB2] =	sst s10  }
0x32: {  	s10 =	sld [smem:$0x3FB0];
	_ =	sdelay $0x3  }
0x33: {  	p0 =	seq.s32 s10, $0x1;
	s10 =	sld [smem:$0x3FB2];
	_ =	sdelay $0x3  }
0x34: {  	[smem:$0x3FB2] =	sst s10  }
0x35: {  	s10 =	sld [smem:$0x3FB1];
	_ =	sdelay $0x3  }
0x36: {  	p1 =	seq.s32 s10, $0x1;
	s10 =	sld [smem:$0x3FB2];
	_ =	sdelay $0x3  }
0x37: {  	[smem:$0x3FB2] =	sst s10  }
0x38: {  	s10 =	sld [smem:$0x3FB3]  }
0x39: {  	_ = 	snop;
	(pc) =	sbr.ind lr, $3  }
0x3a: {  	_ = 	snop  }
0x3b: {  	_ = 	snop  }
0x3c: {  	p2 =	seq.s32 s10, $0x1;
	s10 =	sld [smem:$0x3FB2]  }
0x3d: {  	_ =	shalt  }
0x3e: {  	_ =	shalt  }
0x3f: {  	_ =	shalt  }
0x40: {  	_ =	shalt  }
0x41: {  	_ =	shalt  }
0x42: {  	_ =	shalt  }
0x43: {  	_ =	shalt  }
0x44: {  	_ =	shalt  }
0x45: {  	_ =	shalt  }
0x46: {  	_ =	shalt  }
0x47: {  	_ =	shalt  }
0x48: {  	_ =	shalt  }
0x49: {  	_ =	shalt  }
0x4a: {  	_ =	shalt  }
0x4b: {  	_ =	shalt  }
0x4c: {  	_ =	shalt  }
0x4d: {  	_ =	shalt  }
0x4e: {  	_ =	shalt  }
0x4f: {  	_ =	shalt  }
0x50: {  	_ =	shalt  }
0x51: {  	_ =	shalt  }
0x52: {  	_ =	shalt  }
0x53: {  	_ =	shalt  }
0x54: {  	_ =	shalt  }
0x55: {  	_ =	shalt  }
0x56: {  	_ =	shalt  }
0x57: {  	_ =	shalt  }
0x58: {  	_ =	shalt  }
0x59: {  	_ =	shalt  }
0x5a: {  	_ =	shalt  }
0x5b: {  	_ =	shalt  }
0x5c: {  	_ =	shalt  }
0x5d: {  	_ =	shalt  }
0x5e: {  	_ =	shalt  }
0x5f: {  	_ =	shalt  }
0x60: {  	_ =	shalt  }
0x61: {  	_ =	shalt  }
0x62: {  	_ =	shalt  }
0x63: {  	_ =	shalt  }
0x64: {  	_ =	shalt  }
0x65: {  	_ =	shalt  }
0x66: {  	_ =	shalt  }
0x67: {  	_ =	shalt  }
0x68: {  	_ =	shalt  }
0x69: {  	_ =	shalt  }
0x6a: {  	_ =	shalt  }
0x6b: {  	_ =	shalt  }
0x6c: {  	_ =	shalt  }
0x6d: {  	_ =	shalt  }
0x6e: {  	_ =	shalt  }
0x6f: {  	_ =	shalt  }
0x70: {  	_ =	shalt  }
0x71: {  	_ =	shalt  }
0x72: {  	_ =	shalt  }
0x73: {  	_ =	shalt  }
0x74: {  	_ =	shalt  }
0x75: {  	_ =	shalt  }
0x76: {  	_ =	shalt  }
0x77: {  	_ =	shalt  }
0x78: {  	_ =	shalt  }
0x79: {  	_ =	shalt  }
0x7a: {  	_ =	shalt  }
0x7b: {  	_ =	shalt  }
0x7c: {  	_ =	shalt  }
0x7d: {  	_ =	shalt  }
0x7e: {  	_ =	shalt  }
0x7f: {  	_ =	shalt  }
0x80: {  	_ =	shalt  }
0x81: {  	_ =	shalt  }
0x82: {  	_ =	shalt  }
0x83: {  	_ =	shalt  }
0x84: {  	_ =	shalt  }
0x85: {  	_ =	shalt  }
0x86: {  	_ =	shalt  }
0x87: {  	_ =	shalt  }
.Lfunc_end0:
.L_simem_size_0:
called_computation.1_lowered:
.L_overlay_start_0:
0x88: {  	s2 =	sld [smem:$0x3FD9]  }
0x89: {  	s3 =	sld [smem:$0x3FFE];
	_ =	sdelay $0x1  }
0x8a: {  	s1 =	srdreg.scid  }
0x8b: {  	s0 =	sand.u32 $0x1, s1  }
0x8c: {  	s16 =	sshll.u32 s0, $0xA;
	s2 =	sadd.s32 s3, s2  }
0x8d: {  	s2 =	sadd.s32 s2, s16  }
0x8e: {  	[smem:$0x3FBE] =	sst s2  }
0x8f: {  	_ = 	snop  }
0x90: {  	(tm) =	ssettm $0x1  }
0x91: {  	s17 =	sld [smem:$0x3FFB];
	_ =	sdelay $0x3  }
0x92: {  	_ =	strace s17  }
0x93: {  	s2 =	sld [smem:$0x3FFC];
	_ =	sdelay $0x3  }
0x94: {  	_ =	strace s2  }
0x95: {  	s2 =	sld [smem:$0x3FFD];
	_ =	sdelay $0x3  }
0x96: {  	_ =	strace s2  }
0x97: {  	_ =	strace $0x8FFFFFFF  }
0x98: {  	s18 =	sld [smem:$0x3FDB];
	_ =	sdelay $0x1  }
0x99: {  	s19 =	simm.s32 $_scs_section_size  }
0x9a: {  	s4 =	simm.s32 $_size__tile_overlayer_lowered;
	s5 =	simm.s32 $_tile_overlayer_lowered  }
0x9b: {  	s22 =	simm.s32 $0x1BFF;
	s21 =	sshll.u32 s5, $0x1;
	s2 =	sadd.s32 s19, s18  }
0x9c: {  	s6 =	simm.s32 $0x0;
	s20 =	sshll.u32 s4, $0x1;
	s4 =	sadd.s32 s21, s2  }
0x9d: {  	[timem:s6], [sflag:s22] =	dma.local [hbm:s4], s20  }
0x9e: {  	_ =	swait.ge [sflag:s22], s20  }
0x9f: {  	s3 =	ssub.s32 $0x0, s20;
	[sflag:s22] =	ssyncset.done $0x0  }
0xa0: {  	[sflag:s22] =	ssyncadd.s32 s3;
	_ =	sdelay $0x1  }
0xa1: {  	s23 =	simm.s32 $0x1B8B  }
0xa2: {  	_ =	swait.ge [sflag:s23], $0x1  }
0xa3: {  	[sflag:s23] =	ssyncset.done $0x0  }
0xa4: {  	s25 =	simm.s32 $0x1B8E;
	s24 =	sld [smem:$0x3FFE];
	[sflag:s23] =	ssyncadd.s32 $0xFFFFFFFF  }
0xa5: {  	s26 =	simm.s32 $execute0_lowered;
	[smem:$0x3FD2] =	sst s25  }
0xa6: {  	s4 =	sshll.u32 s26, $0x1;
	_ =	strace $0x80000049;
	[dreg:$0x1] =	wrdreg $0xFFFFFFFF  }
0xa7: {  	s28 =	simm.s32 $_size_execute0_lowered;
	s2 =	sadd.s32 s2, s4;
	[dreg:$0x0] =	wrdreg $0x0  }
0xa8: {  	s4 =	sshll.u32 s28, $0x1;
	[dreg:$0x2] =	wrdreg s2  }
0xa9: {  	[dreg:$0x3] =	wrdreg s4  }
0xaa: {  	[dreg:$0x4] =	wrdreg $0xC0  }
0xab: {  	_ =	task [dreg:s6], $0x5FFFF  }
0xac: {  	[dreg:$0x1] =	wrdreg $0xFFFFFFFF  }
0xad: {  	[dreg:$0x0] =	wrdreg $0x60  }
0xae: {  	[dreg:$0x2] =	wrdreg s24  }
0xaf: {  	[dreg:$0x3] =	wrdreg $0x22000  }
0xb0: {  	[dreg:$0x4] =	wrdreg $0x9  }
0xb1: {  	_ =	task.clear_ibuf [dreg:s6], $0x5FFFF;
	_ =	strace $0x90000049  }
0xb2: {  	s29 =	simm.s32 $0x9;
	_ =	strace $0x8000004B  }
0xb3: {  	_ =	swait.ge [sflag:s29], $0x1  }
0xb4: {  	[sflag:s29] =	ssyncadd.s32 $0xFFFFFFFF  }
0xb5: {  	_ =	strace $0x9000004B  }
0xb6: {  	_ =	sfence  }
0xb7: {  	s30 =	sld [smem:$0x0];
	_ =	sdelay $0x2  }
0xb8: {  	s31 =	sshll.u32 s1, $0xD;
	s1 =	sshrl.u32 s1, $0x2  }
0xb9: {  	s3 =	sand.u32 $0x4000, s31;
	s1 =	sadd.s32 s1, s30  }
0xba: {  	s0 =	sor.u32 s3, s0;
	s1 =	sshll.u32 s1, $0x11  }
0xbb: {  	s0 =	sor.u32 s1, s0  }
0xbc: {  	s0 =	sadd.s32 $0x8F2B, s0  }
0xbd: {  	[sflag:s0] =	ssyncadd.remote.s32 $0x1  }
0xbe: {  	_ =	sfence.sel $0xFFFF  }
0xbf: {  	[dreg:$0x0] =	wrdreg $0xFFFFFFFF;
	(pc) =	sbr.abs _section_cstart, $3  }
0xc0: {  	[dreg:$0x1] =	wrdreg $0xFFFFFFFF  }
0xc1: {  	_ =	task.clear_ibuf [dreg:s6], $0x2FFFF;
	_ =	strace $0x9FFFFFFF  }
0xc2: {  	(tm) =	ssettm $0x7FFFFFFF  }
0xc3: {  	_ =	shalt  }
tec
execute0_lowered:
.L_overlay_start_1:
0x0: {  	(tag) =	ssettag $0x1  }
0x1: {  	s5 =	rddreg [dreg:$0x0];
	s0 =	stileid.u32  }
0x2: {  	s1 =	srdreg.scid;
	s2 =	rddreg [dreg:$0x1]  }
0x3: {  	s3 =	simm.s32 $0x0;
	s16 =	simm.s32 $0x100;
	s17 =	simm.s32 $0x1200  }
0x4: {  	s18 =	simm.s32 $0x1;
	s19 =	simm.s32 $0x2;
	s20 =	simm.s32 $0x180  }
0x5: {  	s21 =	simm.s32 $0x0;
	s7 =	sand.u32 $0x1, s1;
	s1 =	rddreg [dreg:$0x2]  }
0x6: {  	s6 =	smul.u32 $0x5000, s0;
	[smem:$0x7FF] =	sst s3;
	s4 =	sadd.s32 $0x2000, s5  }
0x7: {  	s10 =	sadd.s32 $0x3CC00, s5;
	s12 =	sshll.u32 s0, $0x6;
	s8 =	smul.u32 $0x50000, s7  }
0x8: {  	_ =	strace $0x8000004A;
	s29 =	ssub.s32 $0x2, s7;
	s13 =	sshll.u32 s7, $0x5  }
0x9: {  	s31 =	sadd.s32 s12, s10;
	s9 =	sshrl.u32 s6, $0x3;
	s30 =	sshrl.u32 s29, $0x1  }
0xa: {  	s15 =	sadd.s32 s6, s2;
	s7 =	sor.u32 s13, s12;
	s8 =	sadd.s32 s6, s8  }
0xb: {  	s9 =	sadd.s32 s9, s5;
	s14 =	ssub.s32 s29, s30;
	s6 =	sor.u32 $0x1C03, s12  }
0xc: {  	s7 =	sadd.s32 s10, s7;
	s12 =	sshrl.u32 s15, $0x3;
	s15 =	simm.s32 $0x200  }
0xd: {  	s8 =	sshrl.u32 s8, $0x3;
	s10 =	smax.u32 s14, $0x1;
	s14 =	simm.s32 $0x80  }
0xe: {  	s11 =	sadd.s32 s8, s5;
	s5 =	sadd.s32 $0xBE00, s9;
	s8 =	sadd.s32 $0x13C00, s7  }
0xf: {  	s9 =	sadd.s32 $0x15E00, s11;
	s11 =	sadd.s32 s13, s31;
	s13 =	simm.s32 $0x3  }
.LBB2_1:
0x10: {  	[spmem:s12], [sflag:s6] =	dma.local [hbm:s5], $0xA00  }
0x11: {  	_ =	swait.ge [sflag:s13], $0xA00  }
0x12: {  	[sflag:s13] =	ssyncset.done $0x0  }
0x13: {  	[sflag:s13] =	ssyncadd.s32 $0xFFFFF600  }
0x14: {  	[bflag:$0x0] =	sbarrier.arrive $0xFFFF  }
0x15: {  	[tilespmem:s3], [sflag:$0x3] =	stream.linear.gather [hbm4b:s7+s3], $0x100, $0x38;
	[tilespmem:$0x7200] =	vst v63  }
0x16: {  	_ =	swait.ge [sflag:s13], $0x100  }
0x17: {  	[sflag:s13] =	ssyncset.done $0x0  }
0x18: {  	s22 =	sadd.s32 $0xFFFEC800, s11;
	[sflag:s13] =	ssyncadd.s32 $0xFFFFFF00  }
0x19: {  	[tilespmem:s15], [sflag:$0x1] =	stream.indirect.gather [hbm4b:s4+s14], $0x20, s3, s14, $0xb8;
	[tilespmem:$0x7200] =	vst v63  }
0x1a: {  	s23 =	sadd.s32 $0x13C00, s22  }
0x1b: {  	[tilespmem:s16], [sflag:$0x3] =	stream.linear.gather [hbm4b:s23+s3], $0x100, $0x38;
	[tilespmem:$0x7200] =	vst v63  }
0x1c: {  	_ =	swait.ge [sflag:s13], $0x100  }
0x1d: {  	[sflag:s13] =	ssyncset.done $0x0  }
0x1e: {  	[sflag:s13] =	ssyncadd.s32 $0xFFFFFF00  }
0x1f: {  	[tilespmem:s17], [sflag:$0x2] =	stream.indirect.gather [hbm4b:s4+s14], $0x20, s16, s14, $0xb8;
	[tilespmem:$0x7200] =	vst v63  }
0x20: {  	_ =	swait.ge [sflag:s18], $0x1000  }
0x21: {  	[sflag:s18] =	ssyncset.done $0x0  }
0x22: {  	[sflag:s18] =	ssyncadd.s32 $0xFFFFF000  }
0x23: {  	[spmem:s2] =	stream.indirect.scatter.add.f32 [tilespmem:s15], [sflag:$0x3], $0x20, s14, s14, $0xb8;
	[tilespmem:$0x7200] =	vst v63  }
0x24: {  	_ =	swait.ge [sflag:s13], $0x1000  }
0x25: {  	[sflag:s13] =	ssyncset.done $0x0  }
0x26: {  	s22 =	sadd.s32 $0x14000, s22;
	[sflag:s13] =	ssyncadd.s32 $0xFFFFF000  }
0x27: {  	[tilespmem:s3], [sflag:$0x3] =	stream.linear.gather [hbm4b:s22+s3], $0x100, $0x38;
	[tilespmem:$0x7200] =	vst v63  }
0x28: {  	_ =	swait.ge [sflag:s13], $0x100  }
0x29: {  	[sflag:s13] =	ssyncset.done $0x0  }
0x2a: {  	[sflag:s13] =	ssyncadd.s32 $0xFFFFFF00  }
0x2b: {  	[tilespmem:s15], [sflag:$0x1] =	stream.indirect.gather [hbm4b:s4+s14], $0x20, s3, s14, $0xb8;
	[tilespmem:$0x7200] =	vst v63  }
0x2c: {  	_ =	swait.ge [sflag:s19], $0x1000  }
0x2d: {  	[sflag:s19] =	ssyncset.done $0x0  }
0x2e: {  	[sflag:s19] =	ssyncadd.s32 $0xFFFFF000  }
0x2f: {  	[spmem:s2] =	stream.indirect.scatter.add.f32 [tilespmem:s17], [sflag:$0x3], $0x20, s20, s14, $0xb8;
	[tilespmem:$0x7200] =	vst v63  }
0x30: {  	_ =	swait.ge [sflag:s13], $0x1000  }
0x31: {  	s23 =	simm.s32 $0xFFFED800;
	s22 =	sadd.s32 $0xFFFED000, s11;
	[sflag:s13] =	ssyncset.done $0x0  }
.LBB2_2:
0x32: {  	s24 =	sadd.s32 $0x13C00, s22  }
0x33: {  	[sflag:s13] =	ssyncadd.s32 $0xFFFFF000;
	s25 =	smov.u32 s23;
	s26 =	sadd.s32 $0x800, s23  }
0x34: {  	[tilespmem:s16], [sflag:$0x3] =	stream.linear.gather [hbm4b:s24+s3], $0x100, $0x38;
	[tilespmem:$0x7200] =	vst v63  }
0x35: {  	p0 =	sne.s32 s23, $0xFFFFF800;
	_ =	swait.ge [sflag:s13], $0x100  }
0x36: {  	[sflag:s13] =	ssyncset.done $0x0  }
0x37: {  	[sflag:s13] =	ssyncadd.s32 $0xFFFFFF00  }
0x38: {  	[tilespmem:s17], [sflag:$0x2] =	stream.indirect.gather [hbm4b:s4+s14], $0x20, s16, s14, $0xb8;
	[tilespmem:$0x7200] =	vst v63  }
0x39: {  	_ =	swait.ge [sflag:s18], $0x1000  }
0x3a: {  	[sflag:s18] =	ssyncset.done $0x0  }
0x3b: {  	[sflag:s18] =	ssyncadd.s32 $0xFFFFF000  }
0x3c: {  	[spmem:s2] =	stream.indirect.scatter.add.f32 [tilespmem:s15], [sflag:$0x3], $0x20, s14, s14, $0xb8;
	[tilespmem:$0x7200] =	vst v63  }
0x3d: {  	_ =	swait.ge [sflag:s13], $0x1000  }
0x3e: {  	[sflag:s13] =	ssyncset.done $0x0  }
0x3f: {  	s22 =	sadd.s32 $0x14000, s22;
	[sflag:s13] =	ssyncadd.s32 $0xFFFFF000  }
0x40: {  	[tilespmem:s3], [sflag:$0x3] =	stream.linear.gather [hbm4b:s22+s3], $0x100, $0x38;
	[tilespmem:$0x7200] =	vst v63  }
0x41: {  	_ =	swait.ge [sflag:s13], $0x100  }
0x42: {  	[sflag:s13] =	ssyncset.done $0x0  }
0x43: {  	[sflag:s13] =	ssyncadd.s32 $0xFFFFFF00  }
0x44: {  	[tilespmem:s15], [sflag:$0x1] =	stream.indirect.gather [hbm4b:s4+s14], $0x20, s3, s14, $0xb8;
	[tilespmem:$0x7200] =	vst v63  }
0x45: {  	_ =	swait.ge [sflag:s19], $0x1000  }
.Ltmp0:
0x46: {  	[sflag:s19] =	ssyncset.done $0x0;
	(pc) =	sbr.rel @p0 .LBB2_2-.Ltmp0, $4  }
0x47: {  	[sflag:s19] =	ssyncadd.s32 $0xFFFFF000  }
0x48: {  	[spmem:s2] =	stream.indirect.scatter.add.f32 [tilespmem:s17], [sflag:$0x3], $0x20, s20, s14, $0xb8;
	[tilespmem:$0x7200] =	vst v63  }
0x49: {  	_ =	swait.ge [sflag:s13], $0x1000  }
0x4a: {  	s23 =	smov.u32 s26;
	s22 =	sadd.s32 s25, s11;
	[sflag:s13] =	ssyncset.done $0x0  }
0x4b: {  	s23 =	sadd.s32 $0x13C00, s22;
	[sflag:s13] =	ssyncadd.s32 $0xFFFFF000  }
0x4c: {  	[tilespmem:s16], [sflag:$0x3] =	stream.linear.gather [hbm4b:s23+s3], $0x100, $0x38;
	[tilespmem:$0x7200] =	vst v63  }
0x4d: {  	_ =	swait.ge [sflag:s13], $0x100  }
0x4e: {  	[sflag:s13] =	ssyncset.done $0x0  }
0x4f: {  	[sflag:s13] =	ssyncadd.s32 $0xFFFFFF00  }
0x50: {  	[tilespmem:s17], [sflag:$0x2] =	stream.indirect.gather [hbm4b:s4+s14], $0x20, s16, s14, $0xb8;
	[tilespmem:$0x7200] =	vst v63  }
0x51: {  	_ =	swait.ge [sflag:s18], $0x1000  }
0x52: {  	[sflag:s18] =	ssyncset.done $0x0  }
0x53: {  	[sflag:s18] =	ssyncadd.s32 $0xFFFFF000  }
0x54: {  	[spmem:s2] =	stream.indirect.scatter.add.f32 [tilespmem:s15], [sflag:$0x3], $0x20, s14, s14, $0xb8;
	[tilespmem:$0x7200] =	vst v63  }
0x55: {  	_ =	swait.ge [sflag:s13], $0x1000  }
0x56: {  	[sflag:s13] =	ssyncset.done $0x0  }
0x57: {  	s31 =	sadd.s32 $0x14000, s22;
	[sflag:s13] =	ssyncadd.s32 $0xFFFFF000  }
0x58: {  	[tilespmem:s3], [sflag:$0x3] =	stream.linear.gather [hbm4b:s31+s3], $0x100, $0x38;
	[tilespmem:$0x7200] =	vst v63  }
0x59: {  	_ =	swait.ge [sflag:s13], $0x100  }
0x5a: {  	[sflag:s13] =	ssyncset.done $0x0  }
0x5b: {  	[sflag:s13] =	ssyncadd.s32 $0xFFFFFF00  }
0x5c: {  	[tilespmem:s15], [sflag:$0x1] =	stream.indirect.gather [hbm4b:s4+s14], $0x20, s3, s14, $0xb8;
	[tilespmem:$0x7200] =	vst v63  }
0x5d: {  	_ =	swait.ge [sflag:s19], $0x1000  }
0x5e: {  	[sflag:s19] =	ssyncset.done $0x0  }
0x5f: {  	[sflag:s19] =	ssyncadd.s32 $0xFFFFF000  }
0x60: {  	[spmem:s2] =	stream.indirect.scatter.add.f32 [tilespmem:s17], [sflag:$0x3], $0x20, s20, s14, $0xb8;
	[tilespmem:$0x7200] =	vst v63  }
0x61: {  	_ =	swait.ge [sflag:s13], $0x1000  }
0x62: {  	[sflag:s13] =	ssyncset.done $0x0  }
0x63: {  	[sflag:s13] =	ssyncadd.s32 $0xFFFFF000  }
0x64: {  	[tilespmem:s16], [sflag:$0x3] =	stream.linear.gather [hbm4b:s8+s3], $0x100, $0x38;
	[tilespmem:$0x7200] =	vst v63  }
0x65: {  	_ =	swait.ge [sflag:s13], $0x100  }
0x66: {  	[sflag:s13] =	ssyncset.done $0x0  }
0x67: {  	[sflag:s13] =	ssyncadd.s32 $0xFFFFFF00  }
0x68: {  	[tilespmem:s17], [sflag:$0x2] =	stream.indirect.gather [hbm4b:s4+s14], $0x20, s16, s14, $0xb8;
	[tilespmem:$0x7200] =	vst v63  }
0x69: {  	_ =	swait.ge [sflag:s18], $0x1000  }
0x6a: {  	[sflag:s18] =	ssyncset.done $0x0  }
0x6b: {  	[sflag:s18] =	ssyncadd.s32 $0xFFFFF000  }
0x6c: {  	[spmem:s2] =	stream.indirect.scatter.add.f32 [tilespmem:s15], [sflag:$0x3], $0x20, s14, s14, $0xb8;
	[tilespmem:$0x7200] =	vst v63  }
0x6d: {  	_ =	swait.ge [sflag:s13], $0x1000  }
0x6e: {  	[sflag:s13] =	ssyncset.done $0x0  }
0x6f: {  	[sflag:s13] =	ssyncadd.s32 $0xFFFFF000  }
0x70: {  	_ =	swait.ge [sflag:s19], $0x1000  }
0x71: {  	[sflag:s19] =	ssyncset.done $0x0  }
0x72: {  	[sflag:s19] =	ssyncadd.s32 $0xFFFFF000  }
0x73: {  	[spmem:s2] =	stream.indirect.scatter.add.f32 [tilespmem:s17], [sflag:$0x3], $0x20, s20, s14, $0xb8;
	[tilespmem:$0x7200] =	vst v63  }
0x74: {  	_ =	swait.ge [sflag:s13], $0x1000  }
0x75: {  	s21 =	sadd.s32 $0x1, s21;
	[sflag:s13] =	ssyncset.done $0x0  }
0x76: {  	p0 =	sne.s32 s21, s10;
	[sflag:s13] =	ssyncadd.s32 $0xFFFFF000  }
.Ltmp1:
0x77: {  	[bflag:$0x0] =	sbarrier.arrive $0xFFFF;
	(pc) =	sbr.rel @p0 .LBB2_1-.Ltmp1, $4  }
0x78: {  	[hbm:s9], [sflag:s6] =	dma.local [spmem:s12], $0xA00  }
0x79: {  	_ =	swait.ge [sflag:s13], $0xA00  }
0x7a: {  	[sflag:s13] =	ssyncset.done $0x0  }
0x7b: {  	[sflag:s13] =	ssyncadd.s32 $0xFFFFF600  }
0x7c: {  	_ =	sfence.sel $0x180000  }
0x7d: {  	[bflag:$0x0] =	sbarrier.arrive $0xFFFF  }
0x7e: {  	p0 =	sne.s32 s0, $0x0;
	_ =	strace $0x9000004A  }
0x7f: {  	s0 =	sadd.s32 @!p0 $0x100000, s1;
	[bflag:$0x2] =	sbarrier.arrive $0xFFFF  }
0x80: {  	[sflag:s0] =	ssyncadd.tile.s32 @!p0 $0x1;
	_ =	shalt  }
.Lfunc_end2:
_tile_overlayer_lowered:
.L_overlay_start_2:
0x81: {  	(tag) =	ssettag $0x2  }
0x82: {  	s0 =	rddreg [dreg:$0x0];
	s2 =	stileid.u32  }
0x83: {  	s1 =	rddreg [dreg:$0x1];
	p0 =	sne.s32 s2, $0x0  }
0x84: {  	s3 =	rddreg [dreg:$0x2];
	[bflag:$0x3] =	sbarrier.arrive $0xFFFF;
	s2 =	simm.s32 @!p0 $0x1C03  }
0x85: {  	[timem:s3], [sflag:s2] =	dma.local @!p0 [hbm:s0], s1  }
0x86: {  	s0 =	simm.s32 @!p0 $0x3  }
0x87: {  	_ =	swait.ge @!p0 [sflag:s0], s1  }
0x88: {  	s1 =	ssub.s32 @!p0 $0x0, s1;
	[sflag:s0] =	ssyncset.done @!p0 $0x0  }
0x89: {  	[sflag:s0] =	ssyncadd.s32 @!p0 s1  }
0x8a: {  	[bflag:$0x3] =	sbarrier.arrive $0xFFFF  }
0x8b: {  	_ =	shalt  }

// kernel: kernel.7.cloned.1.call-start
scs
__scs_entry_jumppad:
0x0: {  	(pc) =	sbr.rel $0x88, $3  }
0x1: {  	(tag) =	ssettag $0x0;
	lr =	simm.s32 $0x1  }
0x2: {  	[smem:$0x3F97] =	sst lr;
	_ =	strace $0xD0000000  }
0x3: {  	_ = 	snop  }
0x4: {  	_ = 	snop  }
0x5: {  	_ = 	snop  }
0x6: {  	_ = 	snop  }
0x7: {  	_ = 	snop  }
__scs_overlays_trampoline_lowered:
0x8: {  	[smem:$0x3FA6] =	sst s0  }
0x9: {  	[smem:$0x3FA7] =	sst s1  }
0xa: {  	[smem:$0x3FA8] =	sst s2  }
0xb: {  	[smem:$0x3FA9] =	sst s3  }
0xc: {  	[smem:$0x3FAA] =	sst s4  }
0xd: {  	[smem:$0x3FAB] =	sst s5  }
0xe: {  	[smem:$0x3FAC] =	sst s6  }
0xf: {  	[smem:$0x3FAD] =	sst s7  }
0x10: {  	[smem:$0x3FAE] =	sst s8  }
0x11: {  	[smem:$0x3FAF] =	sst s9;
	s0 =	simm.s32 @!p0 $0x0  }
0x12: {  	s1 =	sld [smem:$0x3F95];
	s0 =	simm.s32 @p0 $0x1  }
0x13: {  	[smem:$0x3FB0] =	sst s0;
	s0 =	simm.s32 @!p1 $0x0  }
0x14: {  	s2 =	sld [smem:$0x3F94];
	s0 =	simm.s32 @p1 $0x1  }
0x15: {  	[smem:$0x3FB1] =	sst s0;
	s0 =	simm.s32 @!p2 $0x0  }
0x16: {  	s3 =	sld [smem:$0x3FDB];
	s0 =	simm.s32 @p2 $0x1  }
0x17: {  	s4 =	simm.s32 $0x1BF5;
	[smem:$0x3FB3] =	sst s0  }
0x18: {  	s0 =	sld [smem:$0x3F96];
	_ =	swait.ge [sflag:s4], $0x0  }
0x19: {  	s7 =	sld [smem:$0x3F97]  }
0x1a: {  	s8 =	sadd.s32 $0xFFFFE003, lr  }
0x1b: {  	s9 =	sadd.s32 $0xFFFFFEF7, lr;
	s5 =	simm.s32 $0xFFFFFFFF;
	p2 =	slt.u32 s8, $0xFFFFF086  }
0x1c: {  	p1 =	slt.u32 s9, $0xF7A;
	s5 =	simm.s32 @!p2 $0x0  }
0x1d: {  	s5 =	simm.s32 @p1 $0x1;
	p0 =	seq.s32 s7, s2  }
0x1e: {  	s7 =	smul.u32 @!p0 $0xF7A, s2;
	p2 =	seq.s32 @!p0 s5, $0x0  }
0x1f: {  	s9 =	smul.u32 $0xF7A, s1;
	s8 =	simm.s32 @!p0 $0x1BF5;
	p2 =	por !p2, p0  }
0x20: {  	[sflag:s8] =	ssyncset.s32 @!p0 $0xFFFFF086;
	s6 =	sadd.s32 @!p0 s3, s7;
	s7 =	simm.s32 @!p0 $0x108  }
0x21: {  	s3 =	sadd.s32 s3, s9;
	s6 =	sadd.s32 @!p0 $0x88, s6;
	s7 =	simm.s32 @p2 $0x1082  }
0x22: {  	[simem:s7], [sflag:s8] =	dma.local @!p0 [hbm:s6], $0xF7A  }
0x23: {  	s9 =	sor.u32 $0xD0000000, s2;
	s6 =	simm.s32 $0x108;
	_ =	swait.ge @!p0 [sflag:s8], $0x0  }
0x24: {  	s3 =	sadd.s32 $0x88, s3;
	s6 =	simm.s32 @!p1 $0x1082;
	[sflag:s4] =	ssyncset.s32 $0xFFFFF086  }
0x25: {  	[simem:s6], [sflag:s4] =	dma.local [hbm:s3], $0xF7A  }
0x26: {  	[smem:$0x3F97] =	sst s1;
	(tag) =	ssettag s2;
	_ =	strace s9  }
0x27: {  	s1 =	sld [smem:$0x3FA7]  }
0x28: {  	s2 =	sld [smem:$0x3FA8]  }
0x29: {  	s4 =	sld [smem:$0x3FAA]  }
0x2a: {  	p0 =	seq.s32 s5, $0x0;
	s5 =	sld [smem:$0x3FAB]  }
0x2b: {  	s6 =	sld [smem:$0x3FAC]  }
0x2c: {  	s7 =	sld [smem:$0x3FAD]  }
0x2d: {  	s3 =	simm.s32 $0x108;
	s8 =	sld [smem:$0x3FAE]  }
0x2e: {  	s3 =	simm.s32 @!p0 $0x1082;
	s9 =	sld [smem:$0x3FAF]  }
0x2f: {  	lr =	sadd.s32 s0, s3;
	s0 =	sld [smem:$0x3FA6]  }
0x30: {  	s3 =	sld [smem:$0x3FA9]  }
0x31: {  	[smem:$0x3FB2] =	sst s10  }
0x32: {  	s10 =	sld [smem:$0x3FB0];
	_ =	sdelay $0x3  }
0x33: {  	p0 =	seq.s32 s10, $0x1;
	s10 =	sld [smem:$0x3FB2];
	_ =	sdelay $0x3  }
0x34: {  	[smem:$0x3FB2] =	sst s10  }
0x35: {  	s10 =	sld [smem:$0x3FB1];
	_ =	sdelay $0x3  }
0x36: {  	p1 =	seq.s32 s10, $0x1;
	s10 =	sld [smem:$0x3FB2];
	_ =	sdelay $0x3  }
0x37: {  	[smem:$0x3FB2] =	sst s10  }
0x38: {  	s10 =	sld [smem:$0x3FB3]  }
0x39: {  	_ = 	snop;
	(pc) =	sbr.ind lr, $3  }
0x3a: {  	_ = 	snop  }
0x3b: {  	_ = 	snop  }
0x3c: {  	p2 =	seq.s32 s10, $0x1;
	s10 =	sld [smem:$0x3FB2]  }
0x3d: {  	_ =	shalt  }
0x3e: {  	_ =	shalt  }
0x3f: {  	_ =	shalt  }
0x40: {  	_ =	shalt  }
0x41: {  	_ =	shalt  }
0x42: {  	_ =	shalt  }
0x43: {  	_ =	shalt  }
0x44: {  	_ =	shalt  }
0x45: {  	_ =	shalt  }
0x46: {  	_ =	shalt  }
0x47: {  	_ =	shalt  }
0x48: {  	_ =	shalt  }
0x49: {  	_ =	shalt  }
0x4a: {  	_ =	shalt  }
0x4b: {  	_ =	shalt  }
0x4c: {  	_ =	shalt  }
0x4d: {  	_ =	shalt  }
0x4e: {  	_ =	shalt  }
0x4f: {  	_ =	shalt  }
0x50: {  	_ =	shalt  }
0x51: {  	_ =	shalt  }
0x52: {  	_ =	shalt  }
0x53: {  	_ =	shalt  }
0x54: {  	_ =	shalt  }
0x55: {  	_ =	shalt  }
0x56: {  	_ =	shalt  }
0x57: {  	_ =	shalt  }
0x58: {  	_ =	shalt  }
0x59: {  	_ =	shalt  }
0x5a: {  	_ =	shalt  }
0x5b: {  	_ =	shalt  }
0x5c: {  	_ =	shalt  }
0x5d: {  	_ =	shalt  }
0x5e: {  	_ =	shalt  }
0x5f: {  	_ =	shalt  }
0x60: {  	_ =	shalt  }
0x61: {  	_ =	shalt  }
0x62: {  	_ =	shalt  }
0x63: {  	_ =	shalt  }
0x64: {  	_ =	shalt  }
0x65: {  	_ =	shalt  }
0x66: {  	_ =	shalt  }
0x67: {  	_ =	shalt  }
0x68: {  	_ =	shalt  }
0x69: {  	_ =	shalt  }
0x6a: {  	_ =	shalt  }
0x6b: {  	_ =	shalt  }
0x6c: {  	_ =	shalt  }
0x6d: {  	_ =	shalt  }
0x6e: {  	_ =	shalt  }
0x6f: {  	_ =	shalt  }
0x70: {  	_ =	shalt  }
0x71: {  	_ =	shalt  }
0x72: {  	_ =	shalt  }
0x73: {  	_ =	shalt  }
0x74: {  	_ =	shalt  }
0x75: {  	_ =	shalt  }
0x76: {  	_ =	shalt  }
0x77: {  	_ =	shalt  }
0x78: {  	_ =	shalt  }
0x79: {  	_ =	shalt  }
0x7a: {  	_ =	shalt  }
0x7b: {  	_ =	shalt  }
0x7c: {  	_ =	shalt  }
0x7d: {  	_ =	shalt  }
0x7e: {  	_ =	shalt  }
0x7f: {  	_ =	shalt  }
0x80: {  	_ =	shalt  }
0x81: {  	_ =	shalt  }
0x82: {  	_ =	shalt  }
0x83: {  	_ =	shalt  }
0x84: {  	_ =	shalt  }
0x85: {  	_ =	shalt  }
0x86: {  	_ =	shalt  }
0x87: {  	_ =	shalt  }
.Lfunc_end0:
.L_simem_size_0:
called_computation_lowered:
.L_overlay_start_0:
0x88: {  	s2 =	sld [smem:$0x3FD9]  }
0x89: {  	s3 =	sld [smem:$0x3FFE];
	_ =	sdelay $0x1  }
0x8a: {  	s1 =	srdreg.scid  }
0x8b: {  	s0 =	sand.u32 $0x1, s1  }
0x8c: {  	s17 =	sshll.u32 s0, $0xA;
	s2 =	sadd.s32 s3, s2  }
0x8d: {  	s2 =	sadd.s32 s2, s17  }
0x8e: {  	[smem:$0x3FBE] =	sst s2  }
0x8f: {  	_ = 	snop  }
0x90: {  	s2 =	sld [smem:$0x3FD0];
	(tm) =	ssettm $0x1  }
0x91: {  	s18 =	sld [smem:$0x3FFB];
	_ =	sdelay $0x3  }
0x92: {  	_ =	strace s18  }
0x93: {  	s3 =	sld [smem:$0x3FFC];
	_ =	sdelay $0x3  }
0x94: {  	_ =	strace s3  }
0x95: {  	s3 =	sld [smem:$0x3FFD];
	_ =	sdelay $0x3  }
0x96: {  	_ =	strace s3  }
0x97: {  	_ =	strace $0x8FFFFFFF  }
0x98: {  	s19 =	sld [smem:$0x3FDB];
	_ =	sdelay $0x1  }
0x99: {  	s4 =	simm.s32 $_scs_section_size  }
0x9a: {  	s5 =	simm.s32 $_size__tile_overlayer_lowered;
	s6 =	simm.s32 $_tile_overlayer_lowered  }
0x9b: {  	s22 =	simm.s32 $0x1BFF;
	s21 =	sshll.u32 s6, $0x1;
	s3 =	sadd.s32 s4, s19  }
0x9c: {  	s7 =	simm.s32 $0x0;
	s20 =	sshll.u32 s5, $0x1;
	s5 =	sadd.s32 s21, s3  }
0x9d: {  	[timem:s7], [sflag:s22] =	dma.local [hbm:s5], s20  }
0x9e: {  	_ =	swait.ge [sflag:s22], s20  }
0x9f: {  	s4 =	ssub.s32 $0x0, s20;
	[sflag:s22] =	ssyncset.done $0x0  }
0xa0: {  	[sflag:s22] =	ssyncadd.s32 s4;
	_ =	sdelay $0x1  }
0xa1: {  	s23 =	simm.s32 $0x1B8B  }
0xa2: {  	_ =	swait.ge [sflag:s23], $0x1  }
0xa3: {  	[sflag:s23] =	ssyncset.done $0x0  }
0xa4: {  	s25 =	simm.s32 $0x1B8E;
	s24 =	sld [smem:$0x3FFE];
	[sflag:s23] =	ssyncadd.s32 $0xFFFFFFFF  }
0xa5: {  	s26 =	simm.s32 $execute0_lowered;
	[smem:$0x3FD2] =	sst s25  }
0xa6: {  	s5 =	sshll.u32 s26, $0x1;
	_ =	strace $0x80000046;
	[dreg:$0x1] =	wrdreg $0xFFFFFFFF  }
0xa7: {  	s28 =	simm.s32 $_size_execute0_lowered;
	s3 =	sadd.s32 s3, s5;
	[dreg:$0x0] =	wrdreg $0x0  }
0xa8: {  	s5 =	sshll.u32 s28, $0x1;
	[dreg:$0x2] =	wrdreg s3  }
0xa9: {  	[dreg:$0x3] =	wrdreg s5  }
0xaa: {  	[dreg:$0x4] =	wrdreg $0xC0  }
0xab: {  	_ =	task [dreg:s7], $0x5FFFF  }
0xac: {  	[dreg:$0x1] =	wrdreg $0xFFFFFFFF  }
0xad: {  	[dreg:$0x0] =	wrdreg $0x60  }
0xae: {  	[dreg:$0x2] =	wrdreg s24  }
0xaf: {  	[dreg:$0x3] =	wrdreg s2  }
0xb0: {  	[dreg:$0x4] =	wrdreg $0x42000  }
0xb1: {  	[dreg:$0x5] =	wrdreg $0xE2800  }
0xb2: {  	[dreg:$0x6] =	wrdreg $0x9  }
0xb3: {  	_ =	task.clear_ibuf [dreg:s7], $0x7FFFF;
	_ =	strace $0x90000046  }
0xb4: {  	s29 =	simm.s32 $0x9;
	_ =	strace $0x80000048  }
0xb5: {  	_ =	swait.ge [sflag:s29], $0x1  }
0xb6: {  	[sflag:s29] =	ssyncadd.s32 $0xFFFFFFFF  }
0xb7: {  	_ =	strace $0x90000048  }
0xb8: {  	_ =	sfence  }
0xb9: {  	s30 =	sld [smem:$0x0];
	_ =	sdelay $0x2  }
0xba: {  	s31 =	sshll.u32 s1, $0xD;
	s1 =	sshrl.u32 s1, $0x2  }
0xbb: {  	s3 =	sand.u32 $0x4000, s31;
	s1 =	sadd.s32 s1, s30  }
0xbc: {  	s0 =	sor.u32 s3, s0;
	s1 =	sshll.u32 s1, $0x11  }
0xbd: {  	s0 =	sor.u32 s1, s0  }
0xbe: {  	s0 =	sadd.s32 $0x8F2B, s0  }
0xbf: {  	[sflag:s0] =	ssyncadd.remote.s32 $0x1  }
0xc0: {  	_ =	sfence.sel $0xFFFF  }
0xc1: {  	[dreg:$0x0] =	wrdreg $0xFFFFFFFF;
	(pc) =	sbr.abs _section_cstart, $3  }
0xc2: {  	[dreg:$0x1] =	wrdreg $0xFFFFFFFF  }
0xc3: {  	_ =	task.clear_ibuf [dreg:s7], $0x2FFFF;
	_ =	strace $0x9FFFFFFF  }
0xc4: {  	(tm) =	ssettm $0x7FFFFFFF  }
0xc5: {  	_ =	shalt  }
tec
execute0_lowered:
.L_overlay_start_1:
0x0: {  	(tag) =	ssettag $0x1  }
0x1: {  	s6 =	rddreg [dreg:$0x0]  }
0x2: {  	s8 =	rddreg [dreg:$0x1]  }
0x3: {  	s2 =	rddreg [dreg:$0x2]  }
0x4: {  	s3 =	rddreg [dreg:$0x3]  }
0x5: {  	s1 =	stileid.u32;
	s5 =	srdreg.scid;
	s4 =	simm.s32 $0x0  }
0x6: {  	s20 =	simm.s32 $0x100;
	s21 =	simm.s32 $0x2200;
	s22 =	simm.s32 $0x1  }
0x7: {  	s23 =	simm.s32 $0xE200;
	s24 =	simm.s32 $0x2;
	s7 =	smul.u32 $0xA000, s1  }
0x8: {  	s9 =	sand.u32 $0x1, s5;
	[smem:$0x7FF] =	sst s4;
	s11 =	smul.u32 $0x280, s1  }
0x9: {  	s5 =	sadd.s32 $0x29200, s6;
	s14 =	sadd.s32 $0x3CC00, s6;
	s10 =	smul.u32 $0xA0000, s9  }
0xa: {  	s29 =	sshll.u32 s1, $0x6;
	_ =	strace $0x80000047;
	s13 =	smul.u32 $0x2800, s9  }
0xb: {  	s15 =	ssub.s32 $0x2, s9;
	s18 =	sshll.u32 s9, $0x5;
	s12 =	sshrl.u32 s7, $0x3  }
0xc: {  	s26 =	sshrl.u32 s15, $0x1;
	s28 =	sadd.s32 s7, s2;
	s30 =	sshrl.u32 s11, $0x3  }
0xd: {  	s31 =	sor.u32 s18, s29;
	s19 =	sadd.s32 s11, s3;
	s12 =	sadd.s32 s12, s6  }
0xe: {  	s10 =	sadd.s32 s7, s10;
	s13 =	sadd.s32 s11, s13;
	s7 =	sor.u32 $0x1C03, s29  }
0xf: {  	s8 =	sadd.s32 s8, s30;
	s9 =	sadd.s32 s14, s31;
	s14 =	sadd.s32 s29, s14  }
0x10: {  	s10 =	sshrl.u32 s10, $0x3;
	s25 =	sshrl.u32 s13, $0x3;
	s13 =	ssub.s32 s15, s26  }
0x11: {  	s14 =	sadd.s32 s18, s14;
	s15 =	sshrl.u32 s28, $0x3;
	s18 =	simm.s32 $0x80  }
0x12: {  	s26 =	simm.s32 $0x0;
	s16 =	sadd.s32 s10, s6;
	s17 =	sadd.s32 s25, s6  }
0x13: {  	s6 =	sadd.s32 $0x50C00, s12;
	s10 =	sadd.s32 $0x13C00, s9;
	s13 =	smax.u32 s13, $0x1  }
0x14: {  	s25 =	simm.s32 $0x180;
	s11 =	sadd.s32 $0x65600, s16;
	s12 =	sadd.s32 $0x64C00, s17  }
0x15: {  	v0 =	vimm.f32 $1.000000000e+00;
	s16 =	simm.s32 $0x3;
	s17 =	sshrl.u32 s19, $0x3;
	s19 =	simm.s32 $0x200  }
.LBB2_1:
0x16: {  	[spmem:s15], [sflag:s7] =	dma.local [hbm:s6], $0x1400  }
0x17: {  	_ =	swait.ge [sflag:s16], $0x1400  }
0x18: {  	[sflag:s16] =	ssyncset.done $0x0  }
0x19: {  	[sflag:s16] =	ssyncadd.s32 $0xFFFFEC00  }
0x1a: {  	[spmem:s17], [sflag:s7] =	dma.local [hbm:s8], $0x50  }
0x1b: {  	_ =	swait.ge [sflag:s16], $0x50  }
0x1c: {  	[sflag:s16] =	ssyncset.done $0x0  }
0x1d: {  	[sflag:s16] =	ssyncadd.s32 $0xFFFFFFB0  }
0x1e: {  	[tilespmem:$0xE200] =	vst v0  }
0x1f: {  	[tilespmem:$0xE210] =	vst v0  }
0x20: {  	[tilespmem:$0xE220] =	vst v0  }
0x21: {  	[tilespmem:$0xE230] =	vst v0  }
0x22: {  	[tilespmem:$0xE240] =	vst v0  }
0x23: {  	[tilespmem:$0xE250] =	vst v0  }
0x24: {  	[tilespmem:$0xE260] =	vst v0  }
0x25: {  	[tilespmem:$0xE270] =	vst v0  }
0x26: {  	[bflag:$0x0] =	sbarrier.arrive $0xFFFF  }
0x27: {  	[tilespmem:s4], [sflag:$0x3] =	stream.linear.gather [hbm4b:s9+s4], $0x100, $0x38;
	[tilespmem:$0xE500] =	vst v63  }
0x28: {  	_ =	swait.ge [sflag:s16], $0x100  }
0x29: {  	[sflag:s16] =	ssyncset.done $0x0  }
0x2a: {  	s28 =	sadd.s32 $0xFFFEC800, s14;
	[sflag:s16] =	ssyncadd.s32 $0xFFFFFF00  }
0x2b: {  	[tilespmem:s19], [sflag:$0x1] =	stream.indirect.gather [hbm4b:s5+s18], $0x40, s4, s18, $0xb8;
	[tilespmem:$0xE500] =	vst v63  }
0x2c: {  	s29 =	sadd.s32 $0x13C00, s28  }
0x2d: {  	[tilespmem:s20], [sflag:$0x3] =	stream.linear.gather [hbm4b:s29+s4], $0x100, $0x38;
	[tilespmem:$0xE500] =	vst v63  }
0x2e: {  	_ =	swait.ge [sflag:s16], $0x100  }
0x2f: {  	[sflag:s16] =	ssyncset.done $0x0  }
0x30: {  	[sflag:s16] =	ssyncadd.s32 $0xFFFFFF00  }
0x31: {  	[tilespmem:s21], [sflag:$0x2] =	stream.indirect.gather [hbm4b:s5+s18], $0x40, s20, s18, $0xb8;
	[tilespmem:$0xE500] =	vst v63  }
0x32: {  	_ =	swait.ge [sflag:s22], $0x2000  }
0x33: {  	[sflag:s22] =	ssyncset.done $0x0  }
0x34: {  	[sflag:s22] =	ssyncadd.s32 $0xFFFFE000  }
0x35: {  	[spmem:s2] =	stream.indirect.scatter.add.f32 [tilespmem:s19], [sflag:$0x3], $0x40, s18, s18, $0xb8;
	[tilespmem:$0xE500] =	vst v63  }
0x36: {  	_ =	swait.ge [sflag:s16], $0x2000  }
0x37: {  	[sflag:s16] =	ssyncset.done $0x0  }
0x38: {  	[sflag:s16] =	ssyncadd.s32 $0xFFFFE000  }
0x39: {  	[spmem:s3] =	stream.indirect.scatter.add.f32 [tilespmem:s23], [sflag:$0x3], $0x1, s18, s18, $0xb8;
	[tilespmem:$0xE500] =	vst v63  }
0x3a: {  	_ =	swait.ge [sflag:s16], $0x80  }
0x3b: {  	[sflag:s16] =	ssyncset.done $0x0  }
0x3c: {  	s28 =	sadd.s32 $0x14000, s28;
	[sflag:s16] =	ssyncadd.s32 $0xFFFFFF80  }
0x3d: {  	[tilespmem:s4], [sflag:$0x3] =	stream.linear.gather [hbm4b:s28+s4], $0x100, $0x38;
	[tilespmem:$0xE500] =	vst v63  }
0x3e: {  	_ =	swait.ge [sflag:s16], $0x100  }
0x3f: {  	[sflag:s16] =	ssyncset.done $0x0  }
0x40: {  	[sflag:s16] =	ssyncadd.s32 $0xFFFFFF00  }
0x41: {  	[tilespmem:s19], [sflag:$0x1] =	stream.indirect.gather [hbm4b:s5+s18], $0x40, s4, s18, $0xb8;
	[tilespmem:$0xE500] =	vst v63  }
0x42: {  	_ =	swait.ge [sflag:s24], $0x2000  }
0x43: {  	[sflag:s24] =	ssyncset.done $0x0  }
0x44: {  	[sflag:s24] =	ssyncadd.s32 $0xFFFFE000  }
0x45: {  	[spmem:s2] =	stream.indirect.scatter.add.f32 [tilespmem:s21], [sflag:$0x3], $0x40, s25, s18, $0xb8;
	[tilespmem:$0xE500] =	vst v63  }
0x46: {  	_ =	swait.ge [sflag:s16], $0x2000  }
0x47: {  	[sflag:s16] =	ssyncset.done $0x0  }
0x48: {  	[sflag:s16] =	ssyncadd.s32 $0xFFFFE000  }
0x49: {  	[spmem:s3] =	stream.indirect.scatter.add.f32 [tilespmem:s23], [sflag:$0x3], $0x1, s25, s18, $0xb8;
	[tilespmem:$0xE500] =	vst v63  }
0x4a: {  	_ =	swait.ge [sflag:s16], $0x80  }
0x4b: {  	s31 =	simm.s32 $0xFFFED800;
	s30 =	sadd.s32 $0xFFFED000, s14;
	[sflag:s16] =	ssyncset.done $0x0  }
.LBB2_2:
0x4c: {  	s0 =	sadd.s32 $0x13C00, s30  }
0x4d: {  	[sflag:s16] =	ssyncadd.s32 $0xFFFFFF80;
	s29 =	smov.u32 s31;
	s28 =	sadd.s32 $0x800, s31  }
0x4e: {  	[tilespmem:s20], [sflag:$0x3] =	stream.linear.gather [hbm4b:s0+s4], $0x100, $0x38;
	[tilespmem:$0xE500] =	vst v63  }
0x4f: {  	p0 =	sne.s32 s31, $0xFFFFF800;
	_ =	swait.ge [sflag:s16], $0x100  }
0x50: {  	[sflag:s16] =	ssyncset.done $0x0  }
0x51: {  	[sflag:s16] =	ssyncadd.s32 $0xFFFFFF00  }
0x52: {  	[tilespmem:s21], [sflag:$0x2] =	stream.indirect.gather [hbm4b:s5+s18], $0x40, s20, s18, $0xb8;
	[tilespmem:$0xE500] =	vst v63  }
0x53: {  	_ =	swait.ge [sflag:s22], $0x2000  }
0x54: {  	[sflag:s22] =	ssyncset.done $0x0  }
0x55: {  	[sflag:s22] =	ssyncadd.s32 $0xFFFFE000  }
0x56: {  	[spmem:s2] =	stream.indirect.scatter.add.f32 [tilespmem:s19], [sflag:$0x3], $0x40, s18, s18, $0xb8;
	[tilespmem:$0xE500] =	vst v63  }
0x57: {  	_ =	swait.ge [sflag:s16], $0x2000  }
0x58: {  	[sflag:s16] =	ssyncset.done $0x0  }
0x59: {  	[sflag:s16] =	ssyncadd.s32 $0xFFFFE000  }
0x5a: {  	[spmem:s3] =	stream.indirect.scatter.add.f32 [tilespmem:s23], [sflag:$0x3], $0x1, s18, s18, $0xb8;
	[tilespmem:$0xE500] =	vst v63  }
0x5b: {  	_ =	swait.ge [sflag:s16], $0x80  }
0x5c: {  	[sflag:s16] =	ssyncset.done $0x0  }
0x5d: {  	s0 =	sadd.s32 $0x14000, s30;
	[sflag:s16] =	ssyncadd.s32 $0xFFFFFF80  }
0x5e: {  	[tilespmem:s4], [sflag:$0x3] =	stream.linear.gather [hbm4b:s0+s4], $0x100, $0x38;
	[tilespmem:$0xE500] =	vst v63  }
0x5f: {  	_ =	swait.ge [sflag:s16], $0x100  }
0x60: {  	[sflag:s16] =	ssyncset.done $0x0  }
0x61: {  	[sflag:s16] =	ssyncadd.s32 $0xFFFFFF00  }
0x62: {  	[tilespmem:s19], [sflag:$0x1] =	stream.indirect.gather [hbm4b:s5+s18], $0x40, s4, s18, $0xb8;
	[tilespmem:$0xE500] =	vst v63  }
0x63: {  	_ =	swait.ge [sflag:s24], $0x2000  }
0x64: {  	[sflag:s24] =	ssyncset.done $0x0  }
0x65: {  	[sflag:s24] =	ssyncadd.s32 $0xFFFFE000  }
0x66: {  	[spmem:s2] =	stream.indirect.scatter.add.f32 [tilespmem:s21], [sflag:$0x3], $0x40, s25, s18, $0xb8;
	[tilespmem:$0xE500] =	vst v63  }
0x67: {  	_ =	swait.ge [sflag:s16], $0x2000  }
.Ltmp0:
0x68: {  	[sflag:s16] =	ssyncset.done $0x0;
	(pc) =	sbr.rel @p0 .LBB2_2-.Ltmp0, $4  }
0x69: {  	[sflag:s16] =	ssyncadd.s32 $0xFFFFE000  }
0x6a: {  	[spmem:s3] =	stream.indirect.scatter.add.f32 [tilespmem:s23], [sflag:$0x3], $0x1, s25, s18, $0xb8;
	[tilespmem:$0xE500] =	vst v63  }
0x6b: {  	_ =	swait.ge [sflag:s16], $0x80  }
0x6c: {  	s30 =	sadd.s32 s29, s14;
	s31 =	smov.u32 s28;
	[sflag:s16] =	ssyncset.done $0x0  }
0x6d: {  	s0 =	sadd.s32 $0x13C00, s30;
	[sflag:s16] =	ssyncadd.s32 $0xFFFFFF80  }
0x6e: {  	[tilespmem:s20], [sflag:$0x3] =	stream.linear.gather [hbm4b:s0+s4], $0x100, $0x38;
	[tilespmem:$0xE500] =	vst v63  }
0x6f: {  	_ =	swait.ge [sflag:s16], $0x100  }
0x70: {  	[sflag:s16] =	ssyncset.done $0x0  }
0x71: {  	[sflag:s16] =	ssyncadd.s32 $0xFFFFFF00  }
0x72: {  	[tilespmem:s21], [sflag:$0x2] =	stream.indirect.gather [hbm4b:s5+s18], $0x40, s20, s18, $0xb8;
	[tilespmem:$0xE500] =	vst v63  }
0x73: {  	_ =	swait.ge [sflag:s22], $0x2000  }
0x74: {  	[sflag:s22] =	ssyncset.done $0x0  }
0x75: {  	[sflag:s22] =	ssyncadd.s32 $0xFFFFE000  }
0x76: {  	[spmem:s2] =	stream.indirect.scatter.add.f32 [tilespmem:s19], [sflag:$0x3], $0x40, s18, s18, $0xb8;
	[tilespmem:$0xE500] =	vst v63  }
0x77: {  	_ =	swait.ge [sflag:s16], $0x2000  }
0x78: {  	[sflag:s16] =	ssyncset.done $0x0  }
0x79: {  	[sflag:s16] =	ssyncadd.s32 $0xFFFFE000  }
0x7a: {  	[spmem:s3] =	stream.indirect.scatter.add.f32 [tilespmem:s23], [sflag:$0x3], $0x1, s18, s18, $0xb8;
	[tilespmem:$0xE500] =	vst v63  }
0x7b: {  	_ =	swait.ge [sflag:s16], $0x80  }
0x7c: {  	[sflag:s16] =	ssyncset.done $0x0  }
0x7d: {  	s31 =	sadd.s32 $0x14000, s30;
	[sflag:s16] =	ssyncadd.s32 $0xFFFFFF80  }
0x7e: {  	[tilespmem:s4], [sflag:$0x3] =	stream.linear.gather [hbm4b:s31+s4], $0x100, $0x38;
	[tilespmem:$0xE500] =	vst v63  }
0x7f: {  	_ =	swait.ge [sflag:s16], $0x100  }
0x80: {  	[sflag:s16] =	ssyncset.done $0x0  }
0x81: {  	[sflag:s16] =	ssyncadd.s32 $0xFFFFFF00  }
0x82: {  	[tilespmem:s19], [sflag:$0x1] =	stream.indirect.gather [hbm4b:s5+s18], $0x40, s4, s18, $0xb8;
	[tilespmem:$0xE500] =	vst v63  }
0x83: {  	_ =	swait.ge [sflag:s24], $0x2000  }
0x84: {  	[sflag:s24] =	ssyncset.done $0x0  }
0x85: {  	[sflag:s24] =	ssyncadd.s32 $0xFFFFE000  }
0x86: {  	[spmem:s2] =	stream.indirect.scatter.add.f32 [tilespmem:s21], [sflag:$0x3], $0x40, s25, s18, $0xb8;
	[tilespmem:$0xE500] =	vst v63  }
0x87: {  	_ =	swait.ge [sflag:s16], $0x2000  }
0x88: {  	[sflag:s16] =	ssyncset.done $0x0  }
0x89: {  	[sflag:s16] =	ssyncadd.s32 $0xFFFFE000  }
0x8a: {  	[spmem:s3] =	stream.indirect.scatter.add.f32 [tilespmem:s23], [sflag:$0x3], $0x1, s25, s18, $0xb8;
	[tilespmem:$0xE500] =	vst v63  }
0x8b: {  	_ =	swait.ge [sflag:s16], $0x80  }
0x8c: {  	[sflag:s16] =	ssyncset.done $0x0  }
0x8d: {  	[sflag:s16] =	ssyncadd.s32 $0xFFFFFF80  }
0x8e: {  	[tilespmem:s20], [sflag:$0x3] =	stream.linear.gather [hbm4b:s10+s4], $0x100, $0x38;
	[tilespmem:$0xE500] =	vst v63  }
0x8f: {  	_ =	swait.ge [sflag:s16], $0x100  }
0x90: {  	[sflag:s16] =	ssyncset.done $0x0  }
0x91: {  	[sflag:s16] =	ssyncadd.s32 $0xFFFFFF00  }
0x92: {  	[tilespmem:s21], [sflag:$0x2] =	stream.indirect.gather [hbm4b:s5+s18], $0x40, s20, s18, $0xb8;
	[tilespmem:$0xE500] =	vst v63  }
0x93: {  	_ =	swait.ge [sflag:s22], $0x2000  }
0x94: {  	[sflag:s22] =	ssyncset.done $0x0  }
0x95: {  	[sflag:s22] =	ssyncadd.s32 $0xFFFFE000  }
0x96: {  	[spmem:s2] =	stream.indirect.scatter.add.f32 [tilespmem:s19], [sflag:$0x3], $0x40, s18, s18, $0xb8;
	[tilespmem:$0xE500] =	vst v63  }
0x97: {  	_ =	swait.ge [sflag:s16], $0x2000  }
0x98: {  	[sflag:s16] =	ssyncset.done $0x0  }
0x99: {  	[sflag:s16] =	ssyncadd.s32 $0xFFFFE000  }
0x9a: {  	[spmem:s3] =	stream.indirect.scatter.add.f32 [tilespmem:s23], [sflag:$0x3], $0x1, s18, s18, $0xb8;
	[tilespmem:$0xE500] =	vst v63  }
0x9b: {  	_ =	swait.ge [sflag:s16], $0x80  }
0x9c: {  	[sflag:s16] =	ssyncset.done $0x0  }
0x9d: {  	[sflag:s16] =	ssyncadd.s32 $0xFFFFFF80  }
0x9e: {  	_ =	swait.ge [sflag:s24], $0x2000  }
0x9f: {  	[sflag:s24] =	ssyncset.done $0x0  }
0xa0: {  	[sflag:s24] =	ssyncadd.s32 $0xFFFFE000  }
0xa1: {  	[spmem:s2] =	stream.indirect.scatter.add.f32 [tilespmem:s21], [sflag:$0x3], $0x40, s25, s18, $0xb8;
	[tilespmem:$0xE500] =	vst v63  }
0xa2: {  	_ =	swait.ge [sflag:s16], $0x2000  }
0xa3: {  	[sflag:s16] =	ssyncset.done $0x0  }
0xa4: {  	[sflag:s16] =	ssyncadd.s32 $0xFFFFE000  }
0xa5: {  	[spmem:s3] =	stream.indirect.scatter.add.f32 [tilespmem:s23], [sflag:$0x3], $0x1, s25, s18, $0xb8;
	[tilespmem:$0xE500] =	vst v63  }
0xa6: {  	_ =	swait.ge [sflag:s16], $0x80  }
0xa7: {  	[sflag:s16] =	ssyncset.done $0x0  }
0xa8: {  	[sflag:s16] =	ssyncadd.s32 $0xFFFFFF80  }
0xa9: {  	[bflag:$0x0] =	sbarrier.arrive $0xFFFF  }
0xaa: {  	[hbm:s11], [sflag:s7] =	dma.local [spmem:s15], $0x1400  }
0xab: {  	s26 =	sadd.s32 $0x1, s26;
	_ =	swait.ge [sflag:s16], $0x1400  }
0xac: {  	p0 =	sne.s32 s26, s13;
	[sflag:s16] =	ssyncset.done $0x0  }
.Ltmp1:
0xad: {  	[sflag:s16] =	ssyncadd.s32 $0xFFFFEC00;
	(pc) =	sbr.rel @p0 .LBB2_1-.Ltmp1, $4  }
0xae: {  	[hbm:s12], [sflag:s7] =	dma.local [spmem:s17], $0x50  }
0xaf: {  	_ =	swait.ge [sflag:s16], $0x50  }
0xb0: {  	[sflag:s16] =	ssyncset.done $0x0  }
0xb1: {  	[sflag:s16] =	ssyncadd.s32 $0xFFFFFFB0  }
0xb2: {  	_ =	sfence.sel $0x180000  }
0xb3: {  	[bflag:$0x0] =	sbarrier.arrive $0xFFFF  }
0xb4: {  	_ =	strace $0x90000047  }
0xb5: {  	[bflag:$0x2] =	sbarrier.arrive $0xFFFF  }
0xb6: {  	p0 =	sne.s32 s1, $0x0;
	s0 =	rddreg [dreg:$0x4]  }
0xb7: {  	s0 =	sadd.s32 @!p0 $0x100000, s0  }
0xb8: {  	[sflag:s0] =	ssyncadd.tile.s32 @!p0 $0x1;
	_ =	shalt  }
.Lfunc_end2:
_tile_overlayer_lowered:
.L_overlay_start_2:
0xb9: {  	(tag) =	ssettag $0x2  }
0xba: {  	s0 =	rddreg [dreg:$0x0];
	s2 =	stileid.u32  }
0xbb: {  	s1 =	rddreg [dreg:$0x1];
	p0 =	sne.s32 s2, $0x0  }
0xbc: {  	s3 =	rddreg [dreg:$0x2];
	[bflag:$0x3] =	sbarrier.arrive $0xFFFF;
	s2 =	simm.s32 @!p0 $0x1C03  }
0xbd: {  	[timem:s3], [sflag:s2] =	dma.local @!p0 [hbm:s0], s1  }
0xbe: {  	s0 =	simm.s32 @!p0 $0x3  }
0xbf: {  	_ =	swait.ge @!p0 [sflag:s0], s1  }
0xc0: {  	s1 =	ssub.s32 @!p0 $0x0, s1;
	[sflag:s0] =	ssyncset.done @!p0 $0x0  }
0xc1: {  	[sflag:s0] =	ssyncadd.s32 @!p0 s1  }
0xc2: {  	[bflag:$0x3] =	sbarrier.arrive $0xFFFF  }
0xc3: {  	_ =	shalt  }

</sc_bundles>
